<compile_context>
chip_gen: v7x
topology: tpu7x:2x2x1
jax: 0.10.2.dev20260603
libtpu: 0.0.44.dev20260713+nightly
codegen_flags: <defaults>
</compile_context>

<pallas_src>
import functools

import jax
import jax.numpy as jnp
from jax import lax
from jax.experimental import pallas as pl
from jax.experimental.pallas import tpu as pltpu
from jax.experimental.pallas import tpu_sc as plsc

N = 100000
D = 128
M = 4096

ROWS = 12544
NBLK = 4
HALF = NBLK * ROWS
NPAD = 2 * HALF

NS = 16
CHUNK = HALF // NS
VREGS = CHUNK // 16
TAIL_VALID = N - HALF - (NS - 1) * CHUNK
SEG = M // NS


def _make_matvec_body(off):
    def body(e_ref, w_ref, b_ref, y_ref):
        g = pl.program_id(0)
        y = lax.dot_general(
            w_ref[...], e_ref[...],
            dimension_numbers=(((1,), (1,)), ((), ())),
            preferred_element_type=jnp.float32,
        ) + b_ref[0]
        col = (g + off) * ROWS + lax.broadcasted_iota(jnp.int32, (1, ROWS), 1)
        y_ref[0, :, :] = jnp.where(col < N, y, 0.0)
    return body


def _matvec(energy, w_row, b, off):
    return pl.pallas_call(
        _make_matvec_body(off),
        grid=(NBLK,),
        in_specs=[
            pl.BlockSpec((ROWS, D), lambda g: (g + off, 0)),
            pl.BlockSpec((1, D), lambda g: (0, 0)),
            pl.BlockSpec(memory_space=pltpu.SMEM),
        ],
        out_specs=pl.BlockSpec((1, 1, ROWS), lambda g: (g, 0, 0)),
        out_shape=jax.ShapeDtypeStruct((NBLK, 1, ROWS), jnp.float32),
    )(energy, w_row, b)


def _make_seg_body(off_elems, tail_valid, has_prev):
    def body(*args):
        if has_prev:
            (y_hbm, batch_hbm, prev_hbm, out_hbm,
             y_v, idx_v, acc_v, slab_v, o_v, prev_v, sem_y, spmem) = args
        else:
            (y_hbm, batch_hbm, out_hbm,
             y_v, idx_v, acc_v, slab_v, o_v, prev_v, sem_y, spmem) = args
        s = lax.axis_index("s")
        base = s * CHUNK
        gbase = off_elems + base

        cp_y = pltpu.make_async_copy(y_hbm.at[pl.ds(base, CHUNK)], y_v, sem_y)
        cp_y.start()

        @pl.when(s < NS - 1)
        def _():
            pltpu.sync_copy(batch_hbm.at[pl.ds(gbase, CHUNK)], idx_v)

        @pl.when(s == NS - 1)
        def _():
            if tail_valid == CHUNK:
                pltpu.sync_copy(batch_hbm.at[pl.ds(gbase, CHUNK)], idx_v)
            else:
                pltpu.sync_copy(
                    batch_hbm.at[pl.ds(gbase, tail_valid)],
                    idx_v.at[pl.ds(0, tail_valid)],
                )
                def zb(j, carry):
                    idx_v[pl.ds(tail_valid + j * 16, 16)] = jnp.zeros(
                        (16,), jnp.int32
                    )
                    return carry
                lax.fori_loop(0, (CHUNK - tail_valid) // 16, zb, 0)

        zero16 = jnp.zeros((16,), jnp.float32)

        def zero_acc(j, carry):
            for u in range(8):
                acc_v[pl.ds(j * 128 + u * 16, 16)] = zero16
            return carry
        lax.fori_loop(0, M // 128, zero_acc, 0)

        cp_y.wait()

        def scat(j, carry):
            for u in range(4):
                off = j * 64 + u * 16
                plsc.addupdate_scatter(
                    acc_v, [idx_v[pl.ds(off, 16)]], y_v[pl.ds(off, 16)]
                )
            return carry
        lax.fori_loop(0, VREGS // 4, scat, 0)

        pltpu.sync_copy(acc_v, spmem.at[s])
        if has_prev:
            pltpu.sync_copy(prev_hbm.at[pl.ds(s * SEG, SEG)], prev_v)
        plsc.subcore_barrier()
        pltpu.sync_copy(spmem.at[:, pl.ds(s * SEG, SEG)], slab_v)

        def red(t, carry):
            tot = slab_v[0, pl.ds(t * 16, 16)]
            for k in range(1, NS):
                tot = tot + slab_v[k, pl.ds(t * 16, 16)]
            if has_prev:
                tot = tot + prev_v[pl.ds(t * 16, 16)]
            o_v[pl.ds(t * 16, 16)] = tot
            return carry
        lax.fori_loop(0, SEG // 16, red, 0)

        pltpu.sync_copy(o_v, out_hbm.at[pl.ds(s * SEG, SEG)])
    return body


def _segment_sum(y_flat, batch, off_elems, tail_valid, prev=None):
    mesh = plsc.VectorSubcoreMesh(
        core_axis_name="c", subcore_axis_name="s", num_cores=1
    )
    f = functools.partial(
        pl.kernel,
        out_type=jax.ShapeDtypeStruct((M,), jnp.float32),
        mesh=mesh,
        scratch_types=[
            pltpu.VMEM((CHUNK,), jnp.float32),
            pltpu.VMEM((CHUNK,), jnp.int32),
            pltpu.VMEM((M,), jnp.float32),
            pltpu.VMEM((NS, SEG), jnp.float32),
            pltpu.VMEM((SEG,), jnp.float32),
            pltpu.VMEM((SEG,), jnp.float32),
            pltpu.SemaphoreType.DMA,
            pltpu.VMEM_SHARED((NS, M), jnp.float32),
        ],
        compiler_params=pltpu.CompilerParams(needs_layout_passes=False),
    )(_make_seg_body(off_elems, tail_valid, prev is not None))
    if prev is None:
        return f(y_flat, batch)
    return f(y_flat, batch, prev)


def kernel(energy, batch, W, b):
    w_row = W.reshape(1, D)
    batch32 = batch.astype(jnp.int32)
    y0 = _matvec(energy, w_row, b, 0).reshape(HALF)
    p0 = _segment_sum(y0, batch32, 0, CHUNK)
    y1 = _matvec(energy, w_row, b, NBLK).reshape(HALF)
    return _segment_sum(y1, batch32, HALF, TAIL_VALID, prev=p0)

# --- scband reference (transcript-rebuilt; emitter-appended) ---
"""Pipeline reference for scband-graph-binary-classification-output-head-9363028705431 (READ-ONLY COPY).

The authoritative reference and input builder live on the scoring server;
editing this copy changes nothing except your own understanding.
"""

import jax, jax.numpy as jnp
import numpy as np

N = 100000
D = 128
M = 4096  # n_molecules


def setup_inputs(seed: int = 0) -> dict:
    key = jax.random.key(seed)
    k1, k2, k3 = jax.random.split(key, 3)
    energy = jax.random.normal(k1, (N, D), dtype=jnp.float32)
    batch = jnp.sort(jax.random.randint(k2, (N,), 0, M, dtype=jnp.int64).astype(jnp.int32)).astype(jnp.int64)
    # out_mlp with num_mlps=1: single Linear(emb_size_atom -> 1)
    W = jax.random.normal(k3, (D, 1), dtype=jnp.float32) * (1.0 / np.sqrt(D))
    b = jnp.zeros((1,), dtype=jnp.float32)
    return {"energy": energy, "batch": batch, "W": W, "b": b}


def reference(energy, batch, W, b):
    # out_mlp: Linear(D -> 1) applied per node
    output = energy @ W + b  # [N, 1]
    # scatter(output, data.batch, dim=0, dim_size=n_molecules, reduce='sum')
    pooled = jax.ops.segment_sum(output, batch, num_segments=M)  # [M, 1]
    # rearrange 'b 1 -> b'
    return pooled[:, 0]

if __name__ == "__main__":
    import jax
    _d = setup_inputs()
    print(jax.jit(kernel)(*tuple(_d.values())))

</pallas_src>

<mosaic_0001>
#map = affine_map<(d0, d1) -> (0)>
module attributes {stable_mosaic.version = 14 : i64} {
  func.func @body(%arg0: i32, %arg1: i32, %arg2: memref<50176xf32, #tpu.memory_space<hbm>>, %arg3: memref<100000xi32, #tpu.memory_space<hbm>>, %arg4: memref<4096xf32, #tpu.memory_space<hbm>>, %arg5: memref<4096xf32, #tpu.memory_space<hbm>>, %arg6: memref<3136xf32, #tpu.memory_space<vmem>>, %arg7: memref<3136xi32, #tpu.memory_space<vmem>>, %arg8: memref<4096xf32, #tpu.memory_space<vmem>>, %arg9: memref<16x256xf32, #tpu.memory_space<vmem>>, %arg10: memref<256xf32, #tpu.memory_space<vmem>>, %arg11: memref<256xf32, #tpu.memory_space<vmem>>, %arg12: memref<!tpu.dma_semaphore, #tpu.memory_space<semaphore_mem>>, %arg13: memref<16x4096xf32, #tpu.memory_space<vmem_shared>>) attributes {dimension_semantics = [#tpu.dimension_semantics<core_parallel>, #tpu.dimension_semantics<subcore_parallel>], iteration_bounds = array<i64: 1, 16>, scalar_prefetch = 0 : i64, scratch_operands = 8 : i64, tpu.core_type = #tpu.core_type<sc_vector_subcore>, window_params = [{transform_indices = #map}, {transform_indices = #map}, {transform_indices = #map}, {transform_indices = #map}]} {
    %mul3A = arith.constant 3136 : i32
    %mul3A_0 = arith.muli %arg1, %mul3A : i32
    %add3A = arith.constant 50176 : i32
    %add3A_1 = arith.addi %add3A, %mul3A_0 : i32
    %dma_start3A = tpu.memref_slice %arg2[%mul3A_0] : memref<50176xf32, #tpu.memory_space<hbm>> -> memref<3136xf32, #tpu.memory_space<hbm>>
    %dma_start3A_2 = tpu.memref_slice %arg2[%mul3A_0] : memref<50176xf32, #tpu.memory_space<hbm>> -> memref<3136xf32, #tpu.memory_space<hbm>>
    tpu.enqueue_dma source(%dma_start3A_2 : memref<3136xf32, #tpu.memory_space<hbm>>) target(%arg6 : memref<3136xf32, #tpu.memory_space<vmem>>) target_semaphore(%arg12 : memref<!tpu.dma_semaphore, #tpu.memory_space<semaphore_mem>>)
    %lt3A = arith.constant 15 : i32
    %lt3A_3 = arith.cmpi slt, %arg1, %lt3A : i32
    %convert_element_type3A = arith.extui %lt3A_3 : i1 to i32
    %cond3A = arith.constant 0 : i32
    %cond3A_4 = arith.cmpi ne, %convert_element_type3A, %cond3A : i32
    scf.if %cond3A_4 {
      "tpu.region"() ({
        %run_scoped3A = tpu.sem_alloc : memref<!tpu.dma_semaphore, #tpu.memory_space<semaphore_mem>>
        %dma_start3A_34 = tpu.memref_slice %arg3[%add3A_1] : memref<100000xi32, #tpu.memory_space<hbm>> -> memref<3136xi32, #tpu.memory_space<hbm>>
        %dma_start3A_35 = tpu.memref_slice %arg3[%add3A_1] : memref<100000xi32, #tpu.memory_space<hbm>> -> memref<3136xi32, #tpu.memory_space<hbm>>
        tpu.enqueue_dma source(%dma_start3A_35 : memref<3136xi32, #tpu.memory_space<hbm>>) target(%arg7 : memref<3136xi32, #tpu.memory_space<vmem>>) target_semaphore(%run_scoped3A : memref<!tpu.dma_semaphore, #tpu.memory_space<semaphore_mem>>)
        %dma_wait3A_36 = tpu.memref_slice %arg3[%add3A_1] : memref<100000xi32, #tpu.memory_space<hbm>> -> memref<3136xi32, #tpu.memory_space<hbm>>
        %dma_wait3A_37 = tpu.memref_slice %arg3[%add3A_1] : memref<100000xi32, #tpu.memory_space<hbm>> -> memref<3136xi32, #tpu.memory_space<hbm>>
        tpu.wait_dma2 semaphore(%run_scoped3A : memref<!tpu.dma_semaphore, #tpu.memory_space<semaphore_mem>>) src(%dma_wait3A_37 : memref<3136xi32, #tpu.memory_space<hbm>>) dst(%arg7 : memref<3136xi32, #tpu.memory_space<vmem>>)
        tpu.yield
      }) : () -> ()
    } else {
    }
    %eq3A = arith.constant 15 : i32
    %eq3A_5 = arith.cmpi eq, %arg1, %eq3A : i32
    %convert_element_type3A_6 = arith.extui %eq3A_5 : i1 to i32
    %cond3A_7 = arith.constant 0 : i32
    %cond3A_8 = arith.cmpi ne, %convert_element_type3A_6, %cond3A_7 : i32
    scf.if %cond3A_8 {
      "tpu.region"() ({
        %run_scoped3A = tpu.sem_alloc : memref<!tpu.dma_semaphore, #tpu.memory_space<semaphore_mem>>
        %dma_start3A_40 = arith.constant 0 : i32
        %dma_start3A_41 = tpu.memref_slice %arg7[%dma_start3A_40] : memref<3136xi32, #tpu.memory_space<vmem>> -> memref<2784xi32, #tpu.memory_space<vmem>>
        %dma_start3A_42 = tpu.memref_slice %arg3[%add3A_1] : memref<100000xi32, #tpu.memory_space<hbm>> -> memref<2784xi32, #tpu.memory_space<hbm>>
        %dma_start3A_43 = arith.constant 0 : i32
        %dma_start3A_44 = tpu.memref_slice %arg7[%dma_start3A_43] : memref<3136xi32, #tpu.memory_space<vmem>> -> memref<2784xi32, #tpu.memory_space<vmem>>
        %dma_start3A_45 = tpu.memref_slice %arg3[%add3A_1] : memref<100000xi32, #tpu.memory_space<hbm>> -> memref<2784xi32, #tpu.memory_space<hbm>>
        tpu.enqueue_dma source(%dma_start3A_45 : memref<2784xi32, #tpu.memory_space<hbm>>) target(%dma_start3A_44 : memref<2784xi32, #tpu.memory_space<vmem>>) target_semaphore(%run_scoped3A : memref<!tpu.dma_semaphore, #tpu.memory_space<semaphore_mem>>)
        %dma_wait3A_46 = arith.constant 0 : i32
        %dma_wait3A_47 = tpu.memref_slice %arg7[%dma_wait3A_46] : memref<3136xi32, #tpu.memory_space<vmem>> -> memref<2784xi32, #tpu.memory_space<vmem>>
        %dma_wait3A_48 = tpu.memref_slice %arg3[%add3A_1] : memref<100000xi32, #tpu.memory_space<hbm>> -> memref<2784xi32, #tpu.memory_space<hbm>>
        %dma_wait3A_49 = arith.constant 0 : i32
        %dma_wait3A_50 = tpu.memref_slice %arg7[%dma_wait3A_49] : memref<3136xi32, #tpu.memory_space<vmem>> -> memref<2784xi32, #tpu.memory_space<vmem>>
        %dma_wait3A_51 = tpu.memref_slice %arg3[%add3A_1] : memref<100000xi32, #tpu.memory_space<hbm>> -> memref<2784xi32, #tpu.memory_space<hbm>>
        tpu.wait_dma2 semaphore(%run_scoped3A : memref<!tpu.dma_semaphore, #tpu.memory_space<semaphore_mem>>) src(%dma_wait3A_51 : memref<2784xi32, #tpu.memory_space<hbm>>) dst(%dma_wait3A_50 : memref<2784xi32, #tpu.memory_space<vmem>>)
        tpu.yield
      }) : () -> ()
      %scan3A_34 = arith.constant 0 : i32
      %scan3A_35 = arith.constant 0 : i32
      %scan3A_36 = arith.constant 22 : i32
      %scan3A_37 = arith.addi %scan3A_35, %scan3A_36 : i32
      %scan3A_38 = arith.constant 1 : i32
      scf.for %scan3A_40 = %scan3A_35 to %scan3A_37 step %scan3A_38  : i32 {
        %broadcast_in_dim3A_41 = arith.constant 0 : i32
        %broadcast_in_dim3A_42 = vector.broadcast %broadcast_in_dim3A_41 : i32 to vector<16xi32>
        %mul3A_43 = arith.constant 16 : i32
        %mul3A_44 = arith.muli %scan3A_40, %mul3A_43 : i32
        %add3A_45 = arith.constant 2784 : i32
        %add3A_46 = arith.addi %add3A_45, %mul3A_44 : i32
        %swap3A = arith.index_cast %add3A_46 : i32 to index
        %swap3A_47 = tpu.vector_load %arg7[%swap3A] {strides = array<i32>} : memref<3136xi32, #tpu.memory_space<vmem>>, vector<16xi32>,
        tpu.vector_store %arg7[%swap3A], %broadcast_in_dim3A_42 {strides = array<i32>} : memref<3136xi32, #tpu.memory_space<vmem>>, vector<16xi32>,
      }
      %scan3A_39 = arith.constant 22 : i32
    } else {
    }
    %broadcast_in_dim3A = arith.constant 0.000000e+00 : f32
    %broadcast_in_dim3A_9 = vector.broadcast %broadcast_in_dim3A : f32 to vector<16xf32>
    %scan3A = arith.constant 0 : i32
    %scan3A_10 = arith.constant 0 : i32
    %scan3A_11 = arith.constant 32 : i32
    %scan3A_12 = arith.addi %scan3A_10, %scan3A_11 : i32
    %scan3A_13 = arith.constant 1 : i32
    scf.for %scan3A_34 = %scan3A_10 to %scan3A_12 step %scan3A_13  : i32 {
      %mul3A_35 = arith.constant 128 : i32
      %mul3A_36 = arith.muli %scan3A_34, %mul3A_35 : i32
      %add3A_37 = arith.constant 0 : i32
      %add3A_38 = arith.addi %mul3A_36, %add3A_37 : i32
      %swap3A = arith.index_cast %add3A_38 : i32 to index
      %swap3A_39 = tpu.vector_load %arg8[%swap3A] {strides = array<i32>} : memref<4096xf32, #tpu.memory_space<vmem>>, vector<16xf32>,
      tpu.vector_store %arg8[%swap3A], %broadcast_in_dim3A_9 {strides = array<i32>} : memref<4096xf32, #tpu.memory_space<vmem>>, vector<16xf32>,
      %mul3A_40 = arith.constant 128 : i32
      %mul3A_41 = arith.muli %scan3A_34, %mul3A_40 : i32
      %add3A_42 = arith.constant 16 : i32
      %add3A_43 = arith.addi %mul3A_41, %add3A_42 : i32
      %swap3A_44 = arith.index_cast %add3A_43 : i32 to index
      %swap3A_45 = tpu.vector_load %arg8[%swap3A_44] {strides = array<i32>} : memref<4096xf32, #tpu.memory_space<vmem>>, vector<16xf32>,
      tpu.vector_store %arg8[%swap3A_44], %broadcast_in_dim3A_9 {strides = array<i32>} : memref<4096xf32, #tpu.memory_space<vmem>>, vector<16xf32>,
      %mul3A_46 = arith.constant 128 : i32
      %mul3A_47 = arith.muli %scan3A_34, %mul3A_46 : i32
      %add3A_48 = arith.constant 32 : i32
      %add3A_49 = arith.addi %mul3A_47, %add3A_48 : i32
      %swap3A_50 = arith.index_cast %add3A_49 : i32 to index
      %swap3A_51 = tpu.vector_load %arg8[%swap3A_50] {strides = array<i32>} : memref<4096xf32, #tpu.memory_space<vmem>>, vector<16xf32>,
      tpu.vector_store %arg8[%swap3A_50], %broadcast_in_dim3A_9 {strides = array<i32>} : memref<4096xf32, #tpu.memory_space<vmem>>, vector<16xf32>,
      %mul3A_52 = arith.constant 128 : i32
      %mul3A_53 = arith.muli %scan3A_34, %mul3A_52 : i32
      %add3A_54 = arith.constant 48 : i32
      %add3A_55 = arith.addi %mul3A_53, %add3A_54 : i32
      %swap3A_56 = arith.index_cast %add3A_55 : i32 to index
      %swap3A_57 = tpu.vector_load %arg8[%swap3A_56] {strides = array<i32>} : memref<4096xf32, #tpu.memory_space<vmem>>, vector<16xf32>,
      tpu.vector_store %arg8[%swap3A_56], %broadcast_in_dim3A_9 {strides = array<i32>} : memref<4096xf32, #tpu.memory_space<vmem>>, vector<16xf32>,
      %mul3A_58 = arith.constant 128 : i32
      %mul3A_59 = arith.muli %scan3A_34, %mul3A_58 : i32
      %add3A_60 = arith.constant 64 : i32
      %add3A_61 = arith.addi %mul3A_59, %add3A_60 : i32
      %swap3A_62 = arith.index_cast %add3A_61 : i32 to index
      %swap3A_63 = tpu.vector_load %arg8[%swap3A_62] {strides = array<i32>} : memref<4096xf32, #tpu.memory_space<vmem>>, vector<16xf32>,
      tpu.vector_store %arg8[%swap3A_62], %broadcast_in_dim3A_9 {strides = array<i32>} : memref<4096xf32, #tpu.memory_space<vmem>>, vector<16xf32>,
      %mul3A_64 = arith.constant 128 : i32
      %mul3A_65 = arith.muli %scan3A_34, %mul3A_64 : i32
      %add3A_66 = arith.constant 80 : i32
      %add3A_67 = arith.addi %mul3A_65, %add3A_66 : i32
      %swap3A_68 = arith.index_cast %add3A_67 : i32 to index
      %swap3A_69 = tpu.vector_load %arg8[%swap3A_68] {strides = array<i32>} : memref<4096xf32, #tpu.memory_space<vmem>>, vector<16xf32>,
      tpu.vector_store %arg8[%swap3A_68], %broadcast_in_dim3A_9 {strides = array<i32>} : memref<4096xf32, #tpu.memory_space<vmem>>, vector<16xf32>,
      %mul3A_70 = arith.constant 128 : i32
      %mul3A_71 = arith.muli %scan3A_34, %mul3A_70 : i32
      %add3A_72 = arith.constant 96 : i32
      %add3A_73 = arith.addi %mul3A_71, %add3A_72 : i32
      %swap3A_74 = arith.index_cast %add3A_73 : i32 to index
      %swap3A_75 = tpu.vector_load %arg8[%swap3A_74] {strides = array<i32>} : memref<4096xf32, #tpu.memory_space<vmem>>, vector<16xf32>,
      tpu.vector_store %arg8[%swap3A_74], %broadcast_in_dim3A_9 {strides = array<i32>} : memref<4096xf32, #tpu.memory_space<vmem>>, vector<16xf32>,
      %mul3A_76 = arith.constant 128 : i32
      %mul3A_77 = arith.muli %scan3A_34, %mul3A_76 : i32
      %add3A_78 = arith.constant 112 : i32
      %add3A_79 = arith.addi %mul3A_77, %add3A_78 : i32
      %swap3A_80 = arith.index_cast %add3A_79 : i32 to index
      %swap3A_81 = tpu.vector_load %arg8[%swap3A_80] {strides = array<i32>} : memref<4096xf32, #tpu.memory_space<vmem>>, vector<16xf32>,
      tpu.vector_store %arg8[%swap3A_80], %broadcast_in_dim3A_9 {strides = array<i32>} : memref<4096xf32, #tpu.memory_space<vmem>>, vector<16xf32>,
    }
    %scan3A_14 = arith.constant 32 : i32
    %dma_wait3A = tpu.memref_slice %arg2[%mul3A_0] : memref<50176xf32, #tpu.memory_space<hbm>> -> memref<3136xf32, #tpu.memory_space<hbm>>
    %dma_wait3A_15 = tpu.memref_slice %arg2[%mul3A_0] : memref<50176xf32, #tpu.memory_space<hbm>> -> memref<3136xf32, #tpu.memory_space<hbm>>
    tpu.wait_dma2 semaphore(%arg12 : memref<!tpu.dma_semaphore, #tpu.memory_space<semaphore_mem>>) src(%dma_wait3A_15 : memref<3136xf32, #tpu.memory_space<hbm>>) dst(%arg6 : memref<3136xf32, #tpu.memory_space<vmem>>)
    %scan3A_16 = arith.constant 0 : i32
    %scan3A_17 = arith.constant 0 : i32
    %scan3A_18 = arith.constant 49 : i32
    %scan3A_19 = arith.addi %scan3A_17, %scan3A_18 : i32
    %scan3A_20 = arith.constant 1 : i32
    scf.for %scan3A_34 = %scan3A_17 to %scan3A_19 step %scan3A_20  : i32 {
      %mul3A_35 = arith.constant 64 : i32
      %mul3A_36 = arith.muli %scan3A_34, %mul3A_35 : i32
      %add3A_37 = arith.constant 0 : i32
      %add3A_38 = arith.addi %mul3A_36, %add3A_37 : i32
      %get3A = arith.index_cast %add3A_38 : i32 to index
      %get3A_39 = tpu.vector_load %arg7[%get3A] {strides = array<i32>} : memref<3136xi32, #tpu.memory_space<vmem>>, vector<16xi32>,
      %get3A_40 = arith.index_cast %add3A_38 : i32 to index
      %get3A_41 = tpu.vector_load %arg6[%get3A_40] {strides = array<i32>} : memref<3136xf32, #tpu.memory_space<vmem>>, vector<16xf32>,
      tpu.vector_store_idx %arg8[%get3A_39], %get3A_41 {add = true} : memref<4096xf32, #tpu.memory_space<vmem>>[vector<16xi32>], vector<16xf32>,
      %mul3A_42 = arith.constant 64 : i32
      %mul3A_43 = arith.muli %scan3A_34, %mul3A_42 : i32
      %add3A_44 = arith.constant 16 : i32
      %add3A_45 = arith.addi %mul3A_43, %add3A_44 : i32
      %get3A_46 = arith.index_cast %add3A_45 : i32 to index
      %get3A_47 = tpu.vector_load %arg7[%get3A_46] {strides = array<i32>} : memref<3136xi32, #tpu.memory_space<vmem>>, vector<16xi32>,
      %get3A_48 = arith.index_cast %add3A_45 : i32 to index
      %get3A_49 = tpu.vector_load %arg6[%get3A_48] {strides = array<i32>} : memref<3136xf32, #tpu.memory_space<vmem>>, vector<16xf32>,
      tpu.vector_store_idx %arg8[%get3A_47], %get3A_49 {add = true} : memref<4096xf32, #tpu.memory_space<vmem>>[vector<16xi32>], vector<16xf32>,
      %mul3A_50 = arith.constant 64 : i32
      %mul3A_51 = arith.muli %scan3A_34, %mul3A_50 : i32
      %add3A_52 = arith.constant 32 : i32
      %add3A_53 = arith.addi %mul3A_51, %add3A_52 : i32
      %get3A_54 = arith.index_cast %add3A_53 : i32 to index
      %get3A_55 = tpu.vector_load %arg7[%get3A_54] {strides = array<i32>} : memref<3136xi32, #tpu.memory_space<vmem>>, vector<16xi32>,
      %get3A_56 = arith.index_cast %add3A_53 : i32 to index
      %get3A_57 = tpu.vector_load %arg6[%get3A_56] {strides = array<i32>} : memref<3136xf32, #tpu.memory_space<vmem>>, vector<16xf32>,
      tpu.vector_store_idx %arg8[%get3A_55], %get3A_57 {add = true} : memref<4096xf32, #tpu.memory_space<vmem>>[vector<16xi32>], vector<16xf32>,
      %mul3A_58 = arith.constant 64 : i32
      %mul3A_59 = arith.muli %scan3A_34, %mul3A_58 : i32
      %add3A_60 = arith.constant 48 : i32
      %add3A_61 = arith.addi %mul3A_59, %add3A_60 : i32
      %get3A_62 = arith.index_cast %add3A_61 : i32 to index
      %get3A_63 = tpu.vector_load %arg7[%get3A_62] {strides = array<i32>} : memref<3136xi32, #tpu.memory_space<vmem>>, vector<16xi32>,
      %get3A_64 = arith.index_cast %add3A_61 : i32 to index
      %get3A_65 = tpu.vector_load %arg6[%get3A_64] {strides = array<i32>} : memref<3136xf32, #tpu.memory_space<vmem>>, vector<16xf32>,
      tpu.vector_store_idx %arg8[%get3A_63], %get3A_65 {add = true} : memref<4096xf32, #tpu.memory_space<vmem>>[vector<16xi32>], vector<16xf32>,
    }
    %scan3A_21 = arith.constant 49 : i32
    "tpu.region"() ({
      %run_scoped3A = tpu.sem_alloc : memref<!tpu.dma_semaphore, #tpu.memory_space<semaphore_mem>>
      %dma_start3A_34 = arith.constant 0 : i32
      %dma_start3A_35 = tpu.memref_slice %arg13[%arg1, %dma_start3A_34] : memref<16x4096xf32, #tpu.memory_space<vmem_shared>> -> memref<1x4096xf32, #tpu.memory_space<vmem_shared>>
      %dma_start3A_36 = tpu.memref_squeeze %dma_start3A_35 : memref<1x4096xf32, #tpu.memory_space<vmem_shared>> -> memref<4096xf32, #tpu.memory_space<vmem_shared>>
      %dma_start3A_37 = arith.constant 0 : i32
      %dma_start3A_38 = tpu.memref_slice %arg13[%arg1, %dma_start3A_37] : memref<16x4096xf32, #tpu.memory_space<vmem_shared>> -> memref<1x4096xf32, #tpu.memory_space<vmem_shared>>
      %dma_start3A_39 = tpu.memref_squeeze %dma_start3A_38 : memref<1x4096xf32, #tpu.memory_space<vmem_shared>> -> memref<4096xf32, #tpu.memory_space<vmem_shared>>
      tpu.enqueue_dma source(%arg8 : memref<4096xf32, #tpu.memory_space<vmem>>) target(%dma_start3A_39 : memref<4096xf32, #tpu.memory_space<vmem_shared>>) target_semaphore(%run_scoped3A : memref<!tpu.dma_semaphore, #tpu.memory_space<semaphore_mem>>)
      %dma_wait3A_40 = arith.constant 0 : i32
      %dma_wait3A_41 = tpu.memref_slice %arg13[%arg1, %dma_wait3A_40] : memref<16x4096xf32, #tpu.memory_space<vmem_shared>> -> memref<1x4096xf32, #tpu.memory_space<vmem_shared>>
      %dma_wait3A_42 = tpu.memref_squeeze %dma_wait3A_41 : memref<1x4096xf32, #tpu.memory_space<vmem_shared>> -> memref<4096xf32, #tpu.memory_space<vmem_shared>>
      %dma_wait3A_43 = arith.constant 0 : i32
      %dma_wait3A_44 = tpu.memref_slice %arg13[%arg1, %dma_wait3A_43] : memref<16x4096xf32, #tpu.memory_space<vmem_shared>> -> memref<1x4096xf32, #tpu.memory_space<vmem_shared>>
      %dma_wait3A_45 = tpu.memref_squeeze %dma_wait3A_44 : memref<1x4096xf32, #tpu.memory_space<vmem_shared>> -> memref<4096xf32, #tpu.memory_space<vmem_shared>>
      tpu.wait_dma2 semaphore(%run_scoped3A : memref<!tpu.dma_semaphore, #tpu.memory_space<semaphore_mem>>) src(%arg8 : memref<4096xf32, #tpu.memory_space<vmem>>) dst(%dma_wait3A_45 : memref<4096xf32, #tpu.memory_space<vmem_shared>>)
      tpu.yield
    }) : () -> ()
    %mul3A_22 = arith.constant 256 : i32
    %mul3A_23 = arith.muli %arg1, %mul3A_22 : i32
    "tpu.region"() ({
      %run_scoped3A = tpu.sem_alloc : memref<!tpu.dma_semaphore, #tpu.memory_space<semaphore_mem>>
      %dma_start3A_34 = tpu.memref_slice %arg4[%mul3A_23] : memref<4096xf32, #tpu.memory_space<hbm>> -> memref<256xf32, #tpu.memory_space<hbm>>
      %dma_start3A_35 = tpu.memref_slice %arg4[%mul3A_23] : memref<4096xf32, #tpu.memory_space<hbm>> -> memref<256xf32, #tpu.memory_space<hbm>>
      tpu.enqueue_dma source(%dma_start3A_35 : memref<256xf32, #tpu.memory_space<hbm>>) target(%arg11 : memref<256xf32, #tpu.memory_space<vmem>>) target_semaphore(%run_scoped3A : memref<!tpu.dma_semaphore, #tpu.memory_space<semaphore_mem>>)
      %dma_wait3A_36 = tpu.memref_slice %arg4[%mul3A_23] : memref<4096xf32, #tpu.memory_space<hbm>> -> memref<256xf32, #tpu.memory_space<hbm>>
      %dma_wait3A_37 = tpu.memref_slice %arg4[%mul3A_23] : memref<4096xf32, #tpu.memory_space<hbm>> -> memref<256xf32, #tpu.memory_space<hbm>>
      tpu.wait_dma2 semaphore(%run_scoped3A : memref<!tpu.dma_semaphore, #tpu.memory_space<semaphore_mem>>) src(%dma_wait3A_37 : memref<256xf32, #tpu.memory_space<hbm>>) dst(%arg11 : memref<256xf32, #tpu.memory_space<vmem>>)
      tpu.yield
    }) : () -> ()
    %barrier3A = arith.constant 0 : index
    tpu.barrier barrier_id(%barrier3A)
    %mul3A_24 = arith.constant 256 : i32
    %mul3A_25 = arith.muli %arg1, %mul3A_24 : i32
    "tpu.region"() ({
      %run_scoped3A = tpu.sem_alloc : memref<!tpu.dma_semaphore, #tpu.memory_space<semaphore_mem>>
      %dma_start3A_34 = arith.constant 0 : i32
      %dma_start3A_35 = tpu.memref_slice %arg13[%dma_start3A_34, %mul3A_25] : memref<16x4096xf32, #tpu.memory_space<vmem_shared>> -> memref<16x256xf32, #tpu.memory_space<vmem_shared>>
      %dma_start3A_36 = arith.constant 0 : i32
      %dma_start3A_37 = tpu.memref_slice %arg13[%dma_start3A_36, %mul3A_25] : memref<16x4096xf32, #tpu.memory_space<vmem_shared>> -> memref<16x256xf32, #tpu.memory_space<vmem_shared>>
      tpu.enqueue_dma source(%dma_start3A_37 : memref<16x256xf32, #tpu.memory_space<vmem_shared>>) target(%arg9 : memref<16x256xf32, #tpu.memory_space<vmem>>) target_semaphore(%run_scoped3A : memref<!tpu.dma_semaphore, #tpu.memory_space<semaphore_mem>>)
      %dma_wait3A_38 = arith.constant 0 : i32
      %dma_wait3A_39 = tpu.memref_slice %arg13[%dma_wait3A_38, %mul3A_25] : memref<16x4096xf32, #tpu.memory_space<vmem_shared>> -> memref<16x256xf32, #tpu.memory_space<vmem_shared>>
      %dma_wait3A_40 = arith.constant 0 : i32
      %dma_wait3A_41 = tpu.memref_slice %arg13[%dma_wait3A_40, %mul3A_25] : memref<16x4096xf32, #tpu.memory_space<vmem_shared>> -> memref<16x256xf32, #tpu.memory_space<vmem_shared>>
      tpu.wait_dma2 semaphore(%run_scoped3A : memref<!tpu.dma_semaphore, #tpu.memory_space<semaphore_mem>>) src(%dma_wait3A_41 : memref<16x256xf32, #tpu.memory_space<vmem_shared>>) dst(%arg9 : memref<16x256xf32, #tpu.memory_space<vmem>>)
      tpu.yield
    }) : () -> ()
    %scan3A_26 = arith.constant 0 : i32
    %scan3A_27 = arith.constant 0 : i32
    %scan3A_28 = arith.constant 16 : i32
    %scan3A_29 = arith.addi %scan3A_27, %scan3A_28 : i32
    %scan3A_30 = arith.constant 1 : i32
    scf.for %scan3A_34 = %scan3A_27 to %scan3A_29 step %scan3A_30  : i32 {
      %mul3A_35 = arith.constant 16 : i32
      %mul3A_36 = arith.muli %scan3A_34, %mul3A_35 : i32
      %get3A = arith.constant 0 : i32
      %get3A_37 = arith.index_cast %get3A : i32 to index
      %get3A_38 = arith.index_cast %mul3A_36 : i32 to index
      %get3A_39 = tpu.vector_load %arg9[%get3A_37, %get3A_38] {strides = array<i32>} : memref<16x256xf32, #tpu.memory_space<vmem>>, vector<16xf32>,
      %mul3A_40 = arith.constant 16 : i32
      %mul3A_41 = arith.muli %scan3A_34, %mul3A_40 : i32
      %get3A_42 = arith.constant 1 : i32
      %get3A_43 = arith.index_cast %get3A_42 : i32 to index
      %get3A_44 = arith.index_cast %mul3A_41 : i32 to index
      %get3A_45 = tpu.vector_load %arg9[%get3A_43, %get3A_44] {strides = array<i32>} : memref<16x256xf32, #tpu.memory_space<vmem>>, vector<16xf32>,
      %add3A_46 = arith.addf %get3A_39, %get3A_45 : vector<16xf32>
      %mul3A_47 = arith.constant 16 : i32
      %mul3A_48 = arith.muli %scan3A_34, %mul3A_47 : i32
      %get3A_49 = arith.constant 2 : i32
      %get3A_50 = arith.index_cast %get3A_49 : i32 to index
      %get3A_51 = arith.index_cast %mul3A_48 : i32 to index
      %get3A_52 = tpu.vector_load %arg9[%get3A_50, %get3A_51] {strides = array<i32>} : memref<16x256xf32, #tpu.memory_space<vmem>>, vector<16xf32>,
      %add3A_53 = arith.addf %add3A_46, %get3A_52 : vector<16xf32>
      %mul3A_54 = arith.constant 16 : i32
      %mul3A_55 = arith.muli %scan3A_34, %mul3A_54 : i32
      %get3A_56 = arith.constant 3 : i32
      %get3A_57 = arith.index_cast %get3A_56 : i32 to index
      %get3A_58 = arith.index_cast %mul3A_55 : i32 to index
      %get3A_59 = tpu.vector_load %arg9[%get3A_57, %get3A_58] {strides = array<i32>} : memref<16x256xf32, #tpu.memory_space<vmem>>, vector<16xf32>,
      %add3A_60 = arith.addf %add3A_53, %get3A_59 : vector<16xf32>
      %mul3A_61 = arith.constant 16 : i32
      %mul3A_62 = arith.muli %scan3A_34, %mul3A_61 : i32
      %get3A_63 = arith.constant 4 : i32
      %get3A_64 = arith.index_cast %get3A_63 : i32 to index
      %get3A_65 = arith.index_cast %mul3A_62 : i32 to index
      %get3A_66 = tpu.vector_load %arg9[%get3A_64, %get3A_65] {strides = array<i32>} : memref<16x256xf32, #tpu.memory_space<vmem>>, vector<16xf32>,
      %add3A_67 = arith.addf %add3A_60, %get3A_66 : vector<16xf32>
      %mul3A_68 = arith.constant 16 : i32
      %mul3A_69 = arith.muli %scan3A_34, %mul3A_68 : i32
      %get3A_70 = arith.constant 5 : i32
      %get3A_71 = arith.index_cast %get3A_70 : i32 to index
      %get3A_72 = arith.index_cast %mul3A_69 : i32 to index
      %get3A_73 = tpu.vector_load %arg9[%get3A_71, %get3A_72] {strides = array<i32>} : memref<16x256xf32, #tpu.memory_space<vmem>>, vector<16xf32>,
      %add3A_74 = arith.addf %add3A_67, %get3A_73 : vector<16xf32>
      %mul3A_75 = arith.constant 16 : i32
      %mul3A_76 = arith.muli %scan3A_34, %mul3A_75 : i32
      %get3A_77 = arith.constant 6 : i32
      %get3A_78 = arith.index_cast %get3A_77 : i32 to index
      %get3A_79 = arith.index_cast %mul3A_76 : i32 to index
      %get3A_80 = tpu.vector_load %arg9[%get3A_78, %get3A_79] {strides = array<i32>} : memref<16x256xf32, #tpu.memory_space<vmem>>, vector<16xf32>,
      %add3A_81 = arith.addf %add3A_74, %get3A_80 : vector<16xf32>
      %mul3A_82 = arith.constant 16 : i32
      %mul3A_83 = arith.muli %scan3A_34, %mul3A_82 : i32
      %get3A_84 = arith.constant 7 : i32
      %get3A_85 = arith.index_cast %get3A_84 : i32 to index
      %get3A_86 = arith.index_cast %mul3A_83 : i32 to index
      %get3A_87 = tpu.vector_load %arg9[%get3A_85, %get3A_86] {strides = array<i32>} : memref<16x256xf32, #tpu.memory_space<vmem>>, vector<16xf32>,
      %add3A_88 = arith.addf %add3A_81, %get3A_87 : vector<16xf32>
      %mul3A_89 = arith.constant 16 : i32
      %mul3A_90 = arith.muli %scan3A_34, %mul3A_89 : i32
      %get3A_91 = arith.constant 8 : i32
      %get3A_92 = arith.index_cast %get3A_91 : i32 to index
      %get3A_93 = arith.index_cast %mul3A_90 : i32 to index
      %get3A_94 = tpu.vector_load %arg9[%get3A_92, %get3A_93] {strides = array<i32>} : memref<16x256xf32, #tpu.memory_space<vmem>>, vector<16xf32>,
      %add3A_95 = arith.addf %add3A_88, %get3A_94 : vector<16xf32>
      %mul3A_96 = arith.constant 16 : i32
      %mul3A_97 = arith.muli %scan3A_34, %mul3A_96 : i32
      %get3A_98 = arith.constant 9 : i32
      %get3A_99 = arith.index_cast %get3A_98 : i32 to index
      %get3A_100 = arith.index_cast %mul3A_97 : i32 to index
      %get3A_101 = tpu.vector_load %arg9[%get3A_99, %get3A_100] {strides = array<i32>} : memref<16x256xf32, #tpu.memory_space<vmem>>, vector<16xf32>,
      %add3A_102 = arith.addf %add3A_95, %get3A_101 : vector<16xf32>
      %mul3A_103 = arith.constant 16 : i32
      %mul3A_104 = arith.muli %scan3A_34, %mul3A_103 : i32
      %get3A_105 = arith.constant 10 : i32
      %get3A_106 = arith.index_cast %get3A_105 : i32 to index
      %get3A_107 = arith.index_cast %mul3A_104 : i32 to index
      %get3A_108 = tpu.vector_load %arg9[%get3A_106, %get3A_107] {strides = array<i32>} : memref<16x256xf32, #tpu.memory_space<vmem>>, vector<16xf32>,
      %add3A_109 = arith.addf %add3A_102, %get3A_108 : vector<16xf32>
      %mul3A_110 = arith.constant 16 : i32
      %mul3A_111 = arith.muli %scan3A_34, %mul3A_110 : i32
      %get3A_112 = arith.constant 11 : i32
      %get3A_113 = arith.index_cast %get3A_112 : i32 to index
      %get3A_114 = arith.index_cast %mul3A_111 : i32 to index
      %get3A_115 = tpu.vector_load %arg9[%get3A_113, %get3A_114] {strides = array<i32>} : memref<16x256xf32, #tpu.memory_space<vmem>>, vector<16xf32>,
      %add3A_116 = arith.addf %add3A_109, %get3A_115 : vector<16xf32>
      %mul3A_117 = arith.constant 16 : i32
      %mul3A_118 = arith.muli %scan3A_34, %mul3A_117 : i32
      %get3A_119 = arith.constant 12 : i32
      %get3A_120 = arith.index_cast %get3A_119 : i32 to index
      %get3A_121 = arith.index_cast %mul3A_118 : i32 to index
      %get3A_122 = tpu.vector_load %arg9[%get3A_120, %get3A_121] {strides = array<i32>} : memref<16x256xf32, #tpu.memory_space<vmem>>, vector<16xf32>,
      %add3A_123 = arith.addf %add3A_116, %get3A_122 : vector<16xf32>
      %mul3A_124 = arith.constant 16 : i32
      %mul3A_125 = arith.muli %scan3A_34, %mul3A_124 : i32
      %get3A_126 = arith.constant 13 : i32
      %get3A_127 = arith.index_cast %get3A_126 : i32 to index
      %get3A_128 = arith.index_cast %mul3A_125 : i32 to index
      %get3A_129 = tpu.vector_load %arg9[%get3A_127, %get3A_128] {strides = array<i32>} : memref<16x256xf32, #tpu.memory_space<vmem>>, vector<16xf32>,
      %add3A_130 = arith.addf %add3A_123, %get3A_129 : vector<16xf32>
      %mul3A_131 = arith.constant 16 : i32
      %mul3A_132 = arith.muli %scan3A_34, %mul3A_131 : i32
      %get3A_133 = arith.constant 14 : i32
      %get3A_134 = arith.index_cast %get3A_133 : i32 to index
      %get3A_135 = arith.index_cast %mul3A_132 : i32 to index
      %get3A_136 = tpu.vector_load %arg9[%get3A_134, %get3A_135] {strides = array<i32>} : memref<16x256xf32, #tpu.memory_space<vmem>>, vector<16xf32>,
      %add3A_137 = arith.addf %add3A_130, %get3A_136 : vector<16xf32>
      %mul3A_138 = arith.constant 16 : i32
      %mul3A_139 = arith.muli %scan3A_34, %mul3A_138 : i32
      %get3A_140 = arith.constant 15 : i32
      %get3A_141 = arith.index_cast %get3A_140 : i32 to index
      %get3A_142 = arith.index_cast %mul3A_139 : i32 to index
      %get3A_143 = tpu.vector_load %arg9[%get3A_141, %get3A_142] {strides = array<i32>} : memref<16x256xf32, #tpu.memory_space<vmem>>, vector<16xf32>,
      %add3A_144 = arith.addf %add3A_137, %get3A_143 : vector<16xf32>
      %mul3A_145 = arith.constant 16 : i32
      %mul3A_146 = arith.muli %scan3A_34, %mul3A_145 : i32
      %get3A_147 = arith.index_cast %mul3A_146 : i32 to index
      %get3A_148 = tpu.vector_load %arg11[%get3A_147] {strides = array<i32>} : memref<256xf32, #tpu.memory_space<vmem>>, vector<16xf32>,
      %add3A_149 = arith.addf %add3A_144, %get3A_148 : vector<16xf32>
      %mul3A_150 = arith.constant 16 : i32
      %mul3A_151 = arith.muli %scan3A_34, %mul3A_150 : i32
      %swap3A = arith.index_cast %mul3A_151 : i32 to index
      %swap3A_152 = tpu.vector_load %arg10[%swap3A] {strides = array<i32>} : memref<256xf32, #tpu.memory_space<vmem>>, vector<16xf32>,
      tpu.vector_store %arg10[%swap3A], %add3A_149 {strides = array<i32>} : memref<256xf32, #tpu.memory_space<vmem>>, vector<16xf32>,
    }
    %scan3A_31 = arith.constant 16 : i32
    %mul3A_32 = arith.constant 256 : i32
    %mul3A_33 = arith.muli %arg1, %mul3A_32 : i32
    "tpu.region"() ({
      %run_scoped3A = tpu.sem_alloc : memref<!tpu.dma_semaphore, #tpu.memory_space<semaphore_mem>>
      %dma_start3A_34 = tpu.memref_slice %arg5[%mul3A_33] : memref<4096xf32, #tpu.memory_space<hbm>> -> memref<256xf32, #tpu.memory_space<hbm>>
      %dma_start3A_35 = tpu.memref_slice %arg5[%mul3A_33] : memref<4096xf32, #tpu.memory_space<hbm>> -> memref<256xf32, #tpu.memory_space<hbm>>
      tpu.enqueue_dma source(%arg10 : memref<256xf32, #tpu.memory_space<vmem>>) target(%dma_start3A_35 : memref<256xf32, #tpu.memory_space<hbm>>) target_semaphore(%run_scoped3A : memref<!tpu.dma_semaphore, #tpu.memory_space<semaphore_mem>>)
      %dma_wait3A_36 = tpu.memref_slice %arg5[%mul3A_33] : memref<4096xf32, #tpu.memory_space<hbm>> -> memref<256xf32, #tpu.memory_space<hbm>>
      %dma_wait3A_37 = tpu.memref_slice %arg5[%mul3A_33] : memref<4096xf32, #tpu.memory_space<hbm>> -> memref<256xf32, #tpu.memory_space<hbm>>
      tpu.wait_dma2 semaphore(%run_scoped3A : memref<!tpu.dma_semaphore, #tpu.memory_space<semaphore_mem>>) src(%arg10 : memref<256xf32, #tpu.memory_space<vmem>>) dst(%dma_wait3A_37 : memref<256xf32, #tpu.memory_space<hbm>>)
      tpu.yield
    }) : () -> ()
    return
  }
}

#map = affine_map<(d0, d1) -> (0)>
module attributes {stable_mosaic.version = 14 : i64} {
  func.func @body(%arg0: i32, %arg1: i32, %arg2: memref<50176xf32, #tpu.memory_space<hbm>>, %arg3: memref<100000xi32, #tpu.memory_space<hbm>>, %arg4: memref<4096xf32, #tpu.memory_space<hbm>>, %arg5: memref<3136xf32, #tpu.memory_space<vmem>>, %arg6: memref<3136xi32, #tpu.memory_space<vmem>>, %arg7: memref<4096xf32, #tpu.memory_space<vmem>>, %arg8: memref<16x256xf32, #tpu.memory_space<vmem>>, %arg9: memref<256xf32, #tpu.memory_space<vmem>>, %arg10: memref<256xf32, #tpu.memory_space<vmem>>, %arg11: memref<!tpu.dma_semaphore, #tpu.memory_space<semaphore_mem>>, %arg12: memref<16x4096xf32, #tpu.memory_space<vmem_shared>>) attributes {dimension_semantics = [#tpu.dimension_semantics<core_parallel>, #tpu.dimension_semantics<subcore_parallel>], iteration_bounds = array<i64: 1, 16>, scalar_prefetch = 0 : i64, scratch_operands = 8 : i64, tpu.core_type = #tpu.core_type<sc_vector_subcore>, window_params = [{transform_indices = #map}, {transform_indices = #map}, {transform_indices = #map}]} {
    %mul3A = arith.constant 3136 : i32
    %mul3A_0 = arith.muli %arg1, %mul3A : i32
    %add3A = arith.constant 0 : i32
    %add3A_1 = arith.addi %add3A, %mul3A_0 : i32
    %dma_start3A = tpu.memref_slice %arg2[%mul3A_0] : memref<50176xf32, #tpu.memory_space<hbm>> -> memref<3136xf32, #tpu.memory_space<hbm>>
    %dma_start3A_2 = tpu.memref_slice %arg2[%mul3A_0] : memref<50176xf32, #tpu.memory_space<hbm>> -> memref<3136xf32, #tpu.memory_space<hbm>>
    tpu.enqueue_dma source(%dma_start3A_2 : memref<3136xf32, #tpu.memory_space<hbm>>) target(%arg5 : memref<3136xf32, #tpu.memory_space<vmem>>) target_semaphore(%arg11 : memref<!tpu.dma_semaphore, #tpu.memory_space<semaphore_mem>>)
    %lt3A = arith.constant 15 : i32
    %lt3A_3 = arith.cmpi slt, %arg1, %lt3A : i32
    %convert_element_type3A = arith.extui %lt3A_3 : i1 to i32
    %cond3A = arith.constant 0 : i32
    %cond3A_4 = arith.cmpi ne, %convert_element_type3A, %cond3A : i32
    scf.if %cond3A_4 {
      "tpu.region"() ({
        %run_scoped3A = tpu.sem_alloc : memref<!tpu.dma_semaphore, #tpu.memory_space<semaphore_mem>>
        %dma_start3A_32 = tpu.memref_slice %arg3[%add3A_1] : memref<100000xi32, #tpu.memory_space<hbm>> -> memref<3136xi32, #tpu.memory_space<hbm>>
        %dma_start3A_33 = tpu.memref_slice %arg3[%add3A_1] : memref<100000xi32, #tpu.memory_space<hbm>> -> memref<3136xi32, #tpu.memory_space<hbm>>
        tpu.enqueue_dma source(%dma_start3A_33 : memref<3136xi32, #tpu.memory_space<hbm>>) target(%arg6 : memref<3136xi32, #tpu.memory_space<vmem>>) target_semaphore(%run_scoped3A : memref<!tpu.dma_semaphore, #tpu.memory_space<semaphore_mem>>)
        %dma_wait3A_34 = tpu.memref_slice %arg3[%add3A_1] : memref<100000xi32, #tpu.memory_space<hbm>> -> memref<3136xi32, #tpu.memory_space<hbm>>
        %dma_wait3A_35 = tpu.memref_slice %arg3[%add3A_1] : memref<100000xi32, #tpu.memory_space<hbm>> -> memref<3136xi32, #tpu.memory_space<hbm>>
        tpu.wait_dma2 semaphore(%run_scoped3A : memref<!tpu.dma_semaphore, #tpu.memory_space<semaphore_mem>>) src(%dma_wait3A_35 : memref<3136xi32, #tpu.memory_space<hbm>>) dst(%arg6 : memref<3136xi32, #tpu.memory_space<vmem>>)
        tpu.yield
      }) : () -> ()
    } else {
    }
    %eq3A = arith.constant 15 : i32
    %eq3A_5 = arith.cmpi eq, %arg1, %eq3A : i32
    %convert_element_type3A_6 = arith.extui %eq3A_5 : i1 to i32
    %cond3A_7 = arith.constant 0 : i32
    %cond3A_8 = arith.cmpi ne, %convert_element_type3A_6, %cond3A_7 : i32
    scf.if %cond3A_8 {
      "tpu.region"() ({
        %run_scoped3A = tpu.sem_alloc : memref<!tpu.dma_semaphore, #tpu.memory_space<semaphore_mem>>
        %dma_start3A_32 = tpu.memref_slice %arg3[%add3A_1] : memref<100000xi32, #tpu.memory_space<hbm>> -> memref<3136xi32, #tpu.memory_space<hbm>>
        %dma_start3A_33 = tpu.memref_slice %arg3[%add3A_1] : memref<100000xi32, #tpu.memory_space<hbm>> -> memref<3136xi32, #tpu.memory_space<hbm>>
        tpu.enqueue_dma source(%dma_start3A_33 : memref<3136xi32, #tpu.memory_space<hbm>>) target(%arg6 : memref<3136xi32, #tpu.memory_space<vmem>>) target_semaphore(%run_scoped3A : memref<!tpu.dma_semaphore, #tpu.memory_space<semaphore_mem>>)
        %dma_wait3A_34 = tpu.memref_slice %arg3[%add3A_1] : memref<100000xi32, #tpu.memory_space<hbm>> -> memref<3136xi32, #tpu.memory_space<hbm>>
        %dma_wait3A_35 = tpu.memref_slice %arg3[%add3A_1] : memref<100000xi32, #tpu.memory_space<hbm>> -> memref<3136xi32, #tpu.memory_space<hbm>>
        tpu.wait_dma2 semaphore(%run_scoped3A : memref<!tpu.dma_semaphore, #tpu.memory_space<semaphore_mem>>) src(%dma_wait3A_35 : memref<3136xi32, #tpu.memory_space<hbm>>) dst(%arg6 : memref<3136xi32, #tpu.memory_space<vmem>>)
        tpu.yield
      }) : () -> ()
    } else {
    }
    %broadcast_in_dim3A = arith.constant 0.000000e+00 : f32
    %broadcast_in_dim3A_9 = vector.broadcast %broadcast_in_dim3A : f32 to vector<16xf32>
    %scan3A = arith.constant 0 : i32
    %scan3A_10 = arith.constant 0 : i32
    %scan3A_11 = arith.constant 32 : i32
    %scan3A_12 = arith.addi %scan3A_10, %scan3A_11 : i32
    %scan3A_13 = arith.constant 1 : i32
    scf.for %scan3A_32 = %scan3A_10 to %scan3A_12 step %scan3A_13  : i32 {
      %mul3A_33 = arith.constant 128 : i32
      %mul3A_34 = arith.muli %scan3A_32, %mul3A_33 : i32
      %add3A_35 = arith.constant 0 : i32
      %add3A_36 = arith.addi %mul3A_34, %add3A_35 : i32
      %swap3A = arith.index_cast %add3A_36 : i32 to index
      %swap3A_37 = tpu.vector_load %arg7[%swap3A] {strides = array<i32>} : memref<4096xf32, #tpu.memory_space<vmem>>, vector<16xf32>,
      tpu.vector_store %arg7[%swap3A], %broadcast_in_dim3A_9 {strides = array<i32>} : memref<4096xf32, #tpu.memory_space<vmem>>, vector<16xf32>,
      %mul3A_38 = arith.constant 128 : i32
      %mul3A_39 = arith.muli %scan3A_32, %mul3A_38 : i32
      %add3A_40 = arith.constant 16 : i32
      %add3A_41 = arith.addi %mul3A_39, %add3A_40 : i32
      %swap3A_42 = arith.index_cast %add3A_41 : i32 to index
      %swap3A_43 = tpu.vector_load %arg7[%swap3A_42] {strides = array<i32>} : memref<4096xf32, #tpu.memory_space<vmem>>, vector<16xf32>,
      tpu.vector_store %arg7[%swap3A_42], %broadcast_in_dim3A_9 {strides = array<i32>} : memref<4096xf32, #tpu.memory_space<vmem>>, vector<16xf32>,
      %mul3A_44 = arith.constant 128 : i32
      %mul3A_45 = arith.muli %scan3A_32, %mul3A_44 : i32
      %add3A_46 = arith.constant 32 : i32
      %add3A_47 = arith.addi %mul3A_45, %add3A_46 : i32
      %swap3A_48 = arith.index_cast %add3A_47 : i32 to index
      %swap3A_49 = tpu.vector_load %arg7[%swap3A_48] {strides = array<i32>} : memref<4096xf32, #tpu.memory_space<vmem>>, vector<16xf32>,
      tpu.vector_store %arg7[%swap3A_48], %broadcast_in_dim3A_9 {strides = array<i32>} : memref<4096xf32, #tpu.memory_space<vmem>>, vector<16xf32>,
      %mul3A_50 = arith.constant 128 : i32
      %mul3A_51 = arith.muli %scan3A_32, %mul3A_50 : i32
      %add3A_52 = arith.constant 48 : i32
      %add3A_53 = arith.addi %mul3A_51, %add3A_52 : i32
      %swap3A_54 = arith.index_cast %add3A_53 : i32 to index
      %swap3A_55 = tpu.vector_load %arg7[%swap3A_54] {strides = array<i32>} : memref<4096xf32, #tpu.memory_space<vmem>>, vector<16xf32>,
      tpu.vector_store %arg7[%swap3A_54], %broadcast_in_dim3A_9 {strides = array<i32>} : memref<4096xf32, #tpu.memory_space<vmem>>, vector<16xf32>,
      %mul3A_56 = arith.constant 128 : i32
      %mul3A_57 = arith.muli %scan3A_32, %mul3A_56 : i32
      %add3A_58 = arith.constant 64 : i32
      %add3A_59 = arith.addi %mul3A_57, %add3A_58 : i32
      %swap3A_60 = arith.index_cast %add3A_59 : i32 to index
      %swap3A_61 = tpu.vector_load %arg7[%swap3A_60] {strides = array<i32>} : memref<4096xf32, #tpu.memory_space<vmem>>, vector<16xf32>,
      tpu.vector_store %arg7[%swap3A_60], %broadcast_in_dim3A_9 {strides = array<i32>} : memref<4096xf32, #tpu.memory_space<vmem>>, vector<16xf32>,
      %mul3A_62 = arith.constant 128 : i32
      %mul3A_63 = arith.muli %scan3A_32, %mul3A_62 : i32
      %add3A_64 = arith.constant 80 : i32
      %add3A_65 = arith.addi %mul3A_63, %add3A_64 : i32
      %swap3A_66 = arith.index_cast %add3A_65 : i32 to index
      %swap3A_67 = tpu.vector_load %arg7[%swap3A_66] {strides = array<i32>} : memref<4096xf32, #tpu.memory_space<vmem>>, vector<16xf32>,
      tpu.vector_store %arg7[%swap3A_66], %broadcast_in_dim3A_9 {strides = array<i32>} : memref<4096xf32, #tpu.memory_space<vmem>>, vector<16xf32>,
      %mul3A_68 = arith.constant 128 : i32
      %mul3A_69 = arith.muli %scan3A_32, %mul3A_68 : i32
      %add3A_70 = arith.constant 96 : i32
      %add3A_71 = arith.addi %mul3A_69, %add3A_70 : i32
      %swap3A_72 = arith.index_cast %add3A_71 : i32 to index
      %swap3A_73 = tpu.vector_load %arg7[%swap3A_72] {strides = array<i32>} : memref<4096xf32, #tpu.memory_space<vmem>>, vector<16xf32>,
      tpu.vector_store %arg7[%swap3A_72], %broadcast_in_dim3A_9 {strides = array<i32>} : memref<4096xf32, #tpu.memory_space<vmem>>, vector<16xf32>,
      %mul3A_74 = arith.constant 128 : i32
      %mul3A_75 = arith.muli %scan3A_32, %mul3A_74 : i32
      %add3A_76 = arith.constant 112 : i32
      %add3A_77 = arith.addi %mul3A_75, %add3A_76 : i32
      %swap3A_78 = arith.index_cast %add3A_77 : i32 to index
      %swap3A_79 = tpu.vector_load %arg7[%swap3A_78] {strides = array<i32>} : memref<4096xf32, #tpu.memory_space<vmem>>, vector<16xf32>,
      tpu.vector_store %arg7[%swap3A_78], %broadcast_in_dim3A_9 {strides = array<i32>} : memref<4096xf32, #tpu.memory_space<vmem>>, vector<16xf32>,
    }
    %scan3A_14 = arith.constant 32 : i32
    %dma_wait3A = tpu.memref_slice %arg2[%mul3A_0] : memref<50176xf32, #tpu.memory_space<hbm>> -> memref<3136xf32, #tpu.memory_space<hbm>>
    %dma_wait3A_15 = tpu.memref_slice %arg2[%mul3A_0] : memref<50176xf32, #tpu.memory_space<hbm>> -> memref<3136xf32, #tpu.memory_space<hbm>>
    tpu.wait_dma2 semaphore(%arg11 : memref<!tpu.dma_semaphore, #tpu.memory_space<semaphore_mem>>) src(%dma_wait3A_15 : memref<3136xf32, #tpu.memory_space<hbm>>) dst(%arg5 : memref<3136xf32, #tpu.memory_space<vmem>>)
    %scan3A_16 = arith.constant 0 : i32
    %scan3A_17 = arith.constant 0 : i32
    %scan3A_18 = arith.constant 49 : i32
    %scan3A_19 = arith.addi %scan3A_17, %scan3A_18 : i32
    %scan3A_20 = arith.constant 1 : i32
    scf.for %scan3A_32 = %scan3A_17 to %scan3A_19 step %scan3A_20  : i32 {
      %mul3A_33 = arith.constant 64 : i32
      %mul3A_34 = arith.muli %scan3A_32, %mul3A_33 : i32
      %add3A_35 = arith.constant 0 : i32
      %add3A_36 = arith.addi %mul3A_34, %add3A_35 : i32
      %get3A = arith.index_cast %add3A_36 : i32 to index
      %get3A_37 = tpu.vector_load %arg6[%get3A] {strides = array<i32>} : memref<3136xi32, #tpu.memory_space<vmem>>, vector<16xi32>,
      %get3A_38 = arith.index_cast %add3A_36 : i32 to index
      %get3A_39 = tpu.vector_load %arg5[%get3A_38] {strides = array<i32>} : memref<3136xf32, #tpu.memory_space<vmem>>, vector<16xf32>,
      tpu.vector_store_idx %arg7[%get3A_37], %get3A_39 {add = true} : memref<4096xf32, #tpu.memory_space<vmem>>[vector<16xi32>], vector<16xf32>,
      %mul3A_40 = arith.constant 64 : i32
      %mul3A_41 = arith.muli %scan3A_32, %mul3A_40 : i32
      %add3A_42 = arith.constant 16 : i32
      %add3A_43 = arith.addi %mul3A_41, %add3A_42 : i32
      %get3A_44 = arith.index_cast %add3A_43 : i32 to index
      %get3A_45 = tpu.vector_load %arg6[%get3A_44] {strides = array<i32>} : memref<3136xi32, #tpu.memory_space<vmem>>, vector<16xi32>,
      %get3A_46 = arith.index_cast %add3A_43 : i32 to index
      %get3A_47 = tpu.vector_load %arg5[%get3A_46] {strides = array<i32>} : memref<3136xf32, #tpu.memory_space<vmem>>, vector<16xf32>,
      tpu.vector_store_idx %arg7[%get3A_45], %get3A_47 {add = true} : memref<4096xf32, #tpu.memory_space<vmem>>[vector<16xi32>], vector<16xf32>,
      %mul3A_48 = arith.constant 64 : i32
      %mul3A_49 = arith.muli %scan3A_32, %mul3A_48 : i32
      %add3A_50 = arith.constant 32 : i32
      %add3A_51 = arith.addi %mul3A_49, %add3A_50 : i32
      %get3A_52 = arith.index_cast %add3A_51 : i32 to index
      %get3A_53 = tpu.vector_load %arg6[%get3A_52] {strides = array<i32>} : memref<3136xi32, #tpu.memory_space<vmem>>, vector<16xi32>,
      %get3A_54 = arith.index_cast %add3A_51 : i32 to index
      %get3A_55 = tpu.vector_load %arg5[%get3A_54] {strides = array<i32>} : memref<3136xf32, #tpu.memory_space<vmem>>, vector<16xf32>,
      tpu.vector_store_idx %arg7[%get3A_53], %get3A_55 {add = true} : memref<4096xf32, #tpu.memory_space<vmem>>[vector<16xi32>], vector<16xf32>,
      %mul3A_56 = arith.constant 64 : i32
      %mul3A_57 = arith.muli %scan3A_32, %mul3A_56 : i32
      %add3A_58 = arith.constant 48 : i32
      %add3A_59 = arith.addi %mul3A_57, %add3A_58 : i32
      %get3A_60 = arith.index_cast %add3A_59 : i32 to index
      %get3A_61 = tpu.vector_load %arg6[%get3A_60] {strides = array<i32>} : memref<3136xi32, #tpu.memory_space<vmem>>, vector<16xi32>,
      %get3A_62 = arith.index_cast %add3A_59 : i32 to index
      %get3A_63 = tpu.vector_load %arg5[%get3A_62] {strides = array<i32>} : memref<3136xf32, #tpu.memory_space<vmem>>, vector<16xf32>,
      tpu.vector_store_idx %arg7[%get3A_61], %get3A_63 {add = true} : memref<4096xf32, #tpu.memory_space<vmem>>[vector<16xi32>], vector<16xf32>,
    }
    %scan3A_21 = arith.constant 49 : i32
    "tpu.region"() ({
      %run_scoped3A = tpu.sem_alloc : memref<!tpu.dma_semaphore, #tpu.memory_space<semaphore_mem>>
      %dma_start3A_32 = arith.constant 0 : i32
      %dma_start3A_33 = tpu.memref_slice %arg12[%arg1, %dma_start3A_32] : memref<16x4096xf32, #tpu.memory_space<vmem_shared>> -> memref<1x4096xf32, #tpu.memory_space<vmem_shared>>
      %dma_start3A_34 = tpu.memref_squeeze %dma_start3A_33 : memref<1x4096xf32, #tpu.memory_space<vmem_shared>> -> memref<4096xf32, #tpu.memory_space<vmem_shared>>
      %dma_start3A_35 = arith.constant 0 : i32
      %dma_start3A_36 = tpu.memref_slice %arg12[%arg1, %dma_start3A_35] : memref<16x4096xf32, #tpu.memory_space<vmem_shared>> -> memref<1x4096xf32, #tpu.memory_space<vmem_shared>>
      %dma_start3A_37 = tpu.memref_squeeze %dma_start3A_36 : memref<1x4096xf32, #tpu.memory_space<vmem_shared>> -> memref<4096xf32, #tpu.memory_space<vmem_shared>>
      tpu.enqueue_dma source(%arg7 : memref<4096xf32, #tpu.memory_space<vmem>>) target(%dma_start3A_37 : memref<4096xf32, #tpu.memory_space<vmem_shared>>) target_semaphore(%run_scoped3A : memref<!tpu.dma_semaphore, #tpu.memory_space<semaphore_mem>>)
      %dma_wait3A_38 = arith.constant 0 : i32
      %dma_wait3A_39 = tpu.memref_slice %arg12[%arg1, %dma_wait3A_38] : memref<16x4096xf32, #tpu.memory_space<vmem_shared>> -> memref<1x4096xf32, #tpu.memory_space<vmem_shared>>
      %dma_wait3A_40 = tpu.memref_squeeze %dma_wait3A_39 : memref<1x4096xf32, #tpu.memory_space<vmem_shared>> -> memref<4096xf32, #tpu.memory_space<vmem_shared>>
      %dma_wait3A_41 = arith.constant 0 : i32
      %dma_wait3A_42 = tpu.memref_slice %arg12[%arg1, %dma_wait3A_41] : memref<16x4096xf32, #tpu.memory_space<vmem_shared>> -> memref<1x4096xf32, #tpu.memory_space<vmem_shared>>
      %dma_wait3A_43 = tpu.memref_squeeze %dma_wait3A_42 : memref<1x4096xf32, #tpu.memory_space<vmem_shared>> -> memref<4096xf32, #tpu.memory_space<vmem_shared>>
      tpu.wait_dma2 semaphore(%run_scoped3A : memref<!tpu.dma_semaphore, #tpu.memory_space<semaphore_mem>>) src(%arg7 : memref<4096xf32, #tpu.memory_space<vmem>>) dst(%dma_wait3A_43 : memref<4096xf32, #tpu.memory_space<vmem_shared>>)
      tpu.yield
    }) : () -> ()
    %barrier3A = arith.constant 0 : index
    tpu.barrier barrier_id(%barrier3A)
    %mul3A_22 = arith.constant 256 : i32
    %mul3A_23 = arith.muli %arg1, %mul3A_22 : i32
    "tpu.region"() ({
      %run_scoped3A = tpu.sem_alloc : memref<!tpu.dma_semaphore, #tpu.memory_space<semaphore_mem>>
      %dma_start3A_32 = arith.constant 0 : i32
      %dma_start3A_33 = tpu.memref_slice %arg12[%dma_start3A_32, %mul3A_23] : memref<16x4096xf32, #tpu.memory_space<vmem_shared>> -> memref<16x256xf32, #tpu.memory_space<vmem_shared>>
      %dma_start3A_34 = arith.constant 0 : i32
      %dma_start3A_35 = tpu.memref_slice %arg12[%dma_start3A_34, %mul3A_23] : memref<16x4096xf32, #tpu.memory_space<vmem_shared>> -> memref<16x256xf32, #tpu.memory_space<vmem_shared>>
      tpu.enqueue_dma source(%dma_start3A_35 : memref<16x256xf32, #tpu.memory_space<vmem_shared>>) target(%arg8 : memref<16x256xf32, #tpu.memory_space<vmem>>) target_semaphore(%run_scoped3A : memref<!tpu.dma_semaphore, #tpu.memory_space<semaphore_mem>>)
      %dma_wait3A_36 = arith.constant 0 : i32
      %dma_wait3A_37 = tpu.memref_slice %arg12[%dma_wait3A_36, %mul3A_23] : memref<16x4096xf32, #tpu.memory_space<vmem_shared>> -> memref<16x256xf32, #tpu.memory_space<vmem_shared>>
      %dma_wait3A_38 = arith.constant 0 : i32
      %dma_wait3A_39 = tpu.memref_slice %arg12[%dma_wait3A_38, %mul3A_23] : memref<16x4096xf32, #tpu.memory_space<vmem_shared>> -> memref<16x256xf32, #tpu.memory_space<vmem_shared>>
      tpu.wait_dma2 semaphore(%run_scoped3A : memref<!tpu.dma_semaphore, #tpu.memory_space<semaphore_mem>>) src(%dma_wait3A_39 : memref<16x256xf32, #tpu.memory_space<vmem_shared>>) dst(%arg8 : memref<16x256xf32, #tpu.memory_space<vmem>>)
      tpu.yield
    }) : () -> ()
    %scan3A_24 = arith.constant 0 : i32
    %scan3A_25 = arith.constant 0 : i32
    %scan3A_26 = arith.constant 16 : i32
    %scan3A_27 = arith.addi %scan3A_25, %scan3A_26 : i32
    %scan3A_28 = arith.constant 1 : i32
    scf.for %scan3A_32 = %scan3A_25 to %scan3A_27 step %scan3A_28  : i32 {
      %mul3A_33 = arith.constant 16 : i32
      %mul3A_34 = arith.muli %scan3A_32, %mul3A_33 : i32
      %get3A = arith.constant 0 : i32
      %get3A_35 = arith.index_cast %get3A : i32 to index
      %get3A_36 = arith.index_cast %mul3A_34 : i32 to index
      %get3A_37 = tpu.vector_load %arg8[%get3A_35, %get3A_36] {strides = array<i32>} : memref<16x256xf32, #tpu.memory_space<vmem>>, vector<16xf32>,
      %mul3A_38 = arith.constant 16 : i32
      %mul3A_39 = arith.muli %scan3A_32, %mul3A_38 : i32
      %get3A_40 = arith.constant 1 : i32
      %get3A_41 = arith.index_cast %get3A_40 : i32 to index
      %get3A_42 = arith.index_cast %mul3A_39 : i32 to index
      %get3A_43 = tpu.vector_load %arg8[%get3A_41, %get3A_42] {strides = array<i32>} : memref<16x256xf32, #tpu.memory_space<vmem>>, vector<16xf32>,
      %add3A_44 = arith.addf %get3A_37, %get3A_43 : vector<16xf32>
      %mul3A_45 = arith.constant 16 : i32
      %mul3A_46 = arith.muli %scan3A_32, %mul3A_45 : i32
      %get3A_47 = arith.constant 2 : i32
      %get3A_48 = arith.index_cast %get3A_47 : i32 to index
      %get3A_49 = arith.index_cast %mul3A_46 : i32 to index
      %get3A_50 = tpu.vector_load %arg8[%get3A_48, %get3A_49] {strides = array<i32>} : memref<16x256xf32, #tpu.memory_space<vmem>>, vector<16xf32>,
      %add3A_51 = arith.addf %add3A_44, %get3A_50 : vector<16xf32>
      %mul3A_52 = arith.constant 16 : i32
      %mul3A_53 = arith.muli %scan3A_32, %mul3A_52 : i32
      %get3A_54 = arith.constant 3 : i32
      %get3A_55 = arith.index_cast %get3A_54 : i32 to index
      %get3A_56 = arith.index_cast %mul3A_53 : i32 to index
      %get3A_57 = tpu.vector_load %arg8[%get3A_55, %get3A_56] {strides = array<i32>} : memref<16x256xf32, #tpu.memory_space<vmem>>, vector<16xf32>,
      %add3A_58 = arith.addf %add3A_51, %get3A_57 : vector<16xf32>
      %mul3A_59 = arith.constant 16 : i32
      %mul3A_60 = arith.muli %scan3A_32, %mul3A_59 : i32
      %get3A_61 = arith.constant 4 : i32
      %get3A_62 = arith.index_cast %get3A_61 : i32 to index
      %get3A_63 = arith.index_cast %mul3A_60 : i32 to index
      %get3A_64 = tpu.vector_load %arg8[%get3A_62, %get3A_63] {strides = array<i32>} : memref<16x256xf32, #tpu.memory_space<vmem>>, vector<16xf32>,
      %add3A_65 = arith.addf %add3A_58, %get3A_64 : vector<16xf32>
      %mul3A_66 = arith.constant 16 : i32
      %mul3A_67 = arith.muli %scan3A_32, %mul3A_66 : i32
      %get3A_68 = arith.constant 5 : i32
      %get3A_69 = arith.index_cast %get3A_68 : i32 to index
      %get3A_70 = arith.index_cast %mul3A_67 : i32 to index
      %get3A_71 = tpu.vector_load %arg8[%get3A_69, %get3A_70] {strides = array<i32>} : memref<16x256xf32, #tpu.memory_space<vmem>>, vector<16xf32>,
      %add3A_72 = arith.addf %add3A_65, %get3A_71 : vector<16xf32>
      %mul3A_73 = arith.constant 16 : i32
      %mul3A_74 = arith.muli %scan3A_32, %mul3A_73 : i32
      %get3A_75 = arith.constant 6 : i32
      %get3A_76 = arith.index_cast %get3A_75 : i32 to index
      %get3A_77 = arith.index_cast %mul3A_74 : i32 to index
      %get3A_78 = tpu.vector_load %arg8[%get3A_76, %get3A_77] {strides = array<i32>} : memref<16x256xf32, #tpu.memory_space<vmem>>, vector<16xf32>,
      %add3A_79 = arith.addf %add3A_72, %get3A_78 : vector<16xf32>
      %mul3A_80 = arith.constant 16 : i32
      %mul3A_81 = arith.muli %scan3A_32, %mul3A_80 : i32
      %get3A_82 = arith.constant 7 : i32
      %get3A_83 = arith.index_cast %get3A_82 : i32 to index
      %get3A_84 = arith.index_cast %mul3A_81 : i32 to index
      %get3A_85 = tpu.vector_load %arg8[%get3A_83, %get3A_84] {strides = array<i32>} : memref<16x256xf32, #tpu.memory_space<vmem>>, vector<16xf32>,
      %add3A_86 = arith.addf %add3A_79, %get3A_85 : vector<16xf32>
      %mul3A_87 = arith.constant 16 : i32
      %mul3A_88 = arith.muli %scan3A_32, %mul3A_87 : i32
      %get3A_89 = arith.constant 8 : i32
      %get3A_90 = arith.index_cast %get3A_89 : i32 to index
      %get3A_91 = arith.index_cast %mul3A_88 : i32 to index
      %get3A_92 = tpu.vector_load %arg8[%get3A_90, %get3A_91] {strides = array<i32>} : memref<16x256xf32, #tpu.memory_space<vmem>>, vector<16xf32>,
      %add3A_93 = arith.addf %add3A_86, %get3A_92 : vector<16xf32>
      %mul3A_94 = arith.constant 16 : i32
      %mul3A_95 = arith.muli %scan3A_32, %mul3A_94 : i32
      %get3A_96 = arith.constant 9 : i32
      %get3A_97 = arith.index_cast %get3A_96 : i32 to index
      %get3A_98 = arith.index_cast %mul3A_95 : i32 to index
      %get3A_99 = tpu.vector_load %arg8[%get3A_97, %get3A_98] {strides = array<i32>} : memref<16x256xf32, #tpu.memory_space<vmem>>, vector<16xf32>,
      %add3A_100 = arith.addf %add3A_93, %get3A_99 : vector<16xf32>
      %mul3A_101 = arith.constant 16 : i32
      %mul3A_102 = arith.muli %scan3A_32, %mul3A_101 : i32
      %get3A_103 = arith.constant 10 : i32
      %get3A_104 = arith.index_cast %get3A_103 : i32 to index
      %get3A_105 = arith.index_cast %mul3A_102 : i32 to index
      %get3A_106 = tpu.vector_load %arg8[%get3A_104, %get3A_105] {strides = array<i32>} : memref<16x256xf32, #tpu.memory_space<vmem>>, vector<16xf32>,
      %add3A_107 = arith.addf %add3A_100, %get3A_106 : vector<16xf32>
      %mul3A_108 = arith.constant 16 : i32
      %mul3A_109 = arith.muli %scan3A_32, %mul3A_108 : i32
      %get3A_110 = arith.constant 11 : i32
      %get3A_111 = arith.index_cast %get3A_110 : i32 to index
      %get3A_112 = arith.index_cast %mul3A_109 : i32 to index
      %get3A_113 = tpu.vector_load %arg8[%get3A_111, %get3A_112] {strides = array<i32>} : memref<16x256xf32, #tpu.memory_space<vmem>>, vector<16xf32>,
      %add3A_114 = arith.addf %add3A_107, %get3A_113 : vector<16xf32>
      %mul3A_115 = arith.constant 16 : i32
      %mul3A_116 = arith.muli %scan3A_32, %mul3A_115 : i32
      %get3A_117 = arith.constant 12 : i32
      %get3A_118 = arith.index_cast %get3A_117 : i32 to index
      %get3A_119 = arith.index_cast %mul3A_116 : i32 to index
      %get3A_120 = tpu.vector_load %arg8[%get3A_118, %get3A_119] {strides = array<i32>} : memref<16x256xf32, #tpu.memory_space<vmem>>, vector<16xf32>,
      %add3A_121 = arith.addf %add3A_114, %get3A_120 : vector<16xf32>
      %mul3A_122 = arith.constant 16 : i32
      %mul3A_123 = arith.muli %scan3A_32, %mul3A_122 : i32
      %get3A_124 = arith.constant 13 : i32
      %get3A_125 = arith.index_cast %get3A_124 : i32 to index
      %get3A_126 = arith.index_cast %mul3A_123 : i32 to index
      %get3A_127 = tpu.vector_load %arg8[%get3A_125, %get3A_126] {strides = array<i32>} : memref<16x256xf32, #tpu.memory_space<vmem>>, vector<16xf32>,
      %add3A_128 = arith.addf %add3A_121, %get3A_127 : vector<16xf32>
      %mul3A_129 = arith.constant 16 : i32
      %mul3A_130 = arith.muli %scan3A_32, %mul3A_129 : i32
      %get3A_131 = arith.constant 14 : i32
      %get3A_132 = arith.index_cast %get3A_131 : i32 to index
      %get3A_133 = arith.index_cast %mul3A_130 : i32 to index
      %get3A_134 = tpu.vector_load %arg8[%get3A_132, %get3A_133] {strides = array<i32>} : memref<16x256xf32, #tpu.memory_space<vmem>>, vector<16xf32>,
      %add3A_135 = arith.addf %add3A_128, %get3A_134 : vector<16xf32>
      %mul3A_136 = arith.constant 16 : i32
      %mul3A_137 = arith.muli %scan3A_32, %mul3A_136 : i32
      %get3A_138 = arith.constant 15 : i32
      %get3A_139 = arith.index_cast %get3A_138 : i32 to index
      %get3A_140 = arith.index_cast %mul3A_137 : i32 to index
      %get3A_141 = tpu.vector_load %arg8[%get3A_139, %get3A_140] {strides = array<i32>} : memref<16x256xf32, #tpu.memory_space<vmem>>, vector<16xf32>,
      %add3A_142 = arith.addf %add3A_135, %get3A_141 : vector<16xf32>
      %mul3A_143 = arith.constant 16 : i32
      %mul3A_144 = arith.muli %scan3A_32, %mul3A_143 : i32
      %swap3A = arith.index_cast %mul3A_144 : i32 to index
      %swap3A_145 = tpu.vector_load %arg9[%swap3A] {strides = array<i32>} : memref<256xf32, #tpu.memory_space<vmem>>, vector<16xf32>,
      tpu.vector_store %arg9[%swap3A], %add3A_142 {strides = array<i32>} : memref<256xf32, #tpu.memory_space<vmem>>, vector<16xf32>,
    }
    %scan3A_29 = arith.constant 16 : i32
    %mul3A_30 = arith.constant 256 : i32
    %mul3A_31 = arith.muli %arg1, %mul3A_30 : i32
    "tpu.region"() ({
      %run_scoped3A = tpu.sem_alloc : memref<!tpu.dma_semaphore, #tpu.memory_space<semaphore_mem>>
      %dma_start3A_32 = tpu.memref_slice %arg4[%mul3A_31] : memref<4096xf32, #tpu.memory_space<hbm>> -> memref<256xf32, #tpu.memory_space<hbm>>
      %dma_start3A_33 = tpu.memref_slice %arg4[%mul3A_31] : memref<4096xf32, #tpu.memory_space<hbm>> -> memref<256xf32, #tpu.memory_space<hbm>>
      tpu.enqueue_dma source(%arg9 : memref<256xf32, #tpu.memory_space<vmem>>) target(%dma_start3A_33 : memref<256xf32, #tpu.memory_space<hbm>>) target_semaphore(%run_scoped3A : memref<!tpu.dma_semaphore, #tpu.memory_space<semaphore_mem>>)
      %dma_wait3A_34 = tpu.memref_slice %arg4[%mul3A_31] : memref<4096xf32, #tpu.memory_space<hbm>> -> memref<256xf32, #tpu.memory_space<hbm>>
      %dma_wait3A_35 = tpu.memref_slice %arg4[%mul3A_31] : memref<4096xf32, #tpu.memory_space<hbm>> -> memref<256xf32, #tpu.memory_space<hbm>>
      tpu.wait_dma2 semaphore(%run_scoped3A : memref<!tpu.dma_semaphore, #tpu.memory_space<semaphore_mem>>) src(%arg9 : memref<256xf32, #tpu.memory_space<vmem>>) dst(%dma_wait3A_35 : memref<256xf32, #tpu.memory_space<hbm>>)
      tpu.yield
    }) : () -> ()
    return
  }
}

module attributes {stable_mosaic.version = 14 : i64} {
  func.func @body(%arg0: i32, %arg1: memref<12544x128xf32, #tpu.memory_space<vmem>>, %arg2: memref<1x128xf32, #tpu.memory_space<vmem>>, %arg3: memref<1xf32, #tpu.memory_space<smem>>, %arg4: memref<1x1x12544xf32, #tpu.memory_space<vmem>>) attributes {dimension_semantics = [#tpu.dimension_semantics<arbitrary>], iteration_bounds = array<i64: 4>, scalar_prefetch = 0 : i64, scratch_operands = 0 : i64, tpu.core_type = #tpu.core_type<tc>, window_params = [{transform_indices = @transform_0, window_bounds = array<i64: 12544, 128>}, {pipeline_mode = #tpu.pipeline_mode<synchronous>, transform_indices = @transform_1, window_bounds = array<i64: 1, 128>}, {transform_indices = @transform_2, window_bounds = array<i64: 1>}, {transform_indices = @transform_3, window_bounds = array<i64: 1, 1, 12544>}]} {
    %get3A = arith.constant 0 : index
    %get3A_0 = arith.constant 0 : index
    %get3A_1 = vector.load %arg2[%get3A, %get3A_0] : memref<1x128xf32, #tpu.memory_space<vmem>>, vector<1x128xf32>
    %get3A_2 = arith.constant 0 : index
    %get3A_3 = arith.constant 0 : index
    %get3A_4 = vector.load %arg1[%get3A_2, %get3A_3] : memref<12544x128xf32, #tpu.memory_space<vmem>>, vector<12544x128xf32>
    %dot_general3A = arith.constant dense<0.000000e+00> : vector<1x12544xf32>
    %dot_general3A_5 = tpu.matmul %get3A_1, %get3A_4, %dot_general3A {dimension_numbers = #tpu.dot_dimension_numbers<[1], [1], [0], [0], [0, 0, 1, 0], [], []>, transpose_lhs_hint = false} : vector<1x128xf32>, vector<12544x128xf32>, vector<1x12544xf32> -> vector<1x12544xf32>
    %get3A_6 = arith.constant 0 : index
    %get3A_7 = memref.load %arg3[%get3A_6] : memref<1xf32, #tpu.memory_space<smem>>
    %add3A = vector.broadcast %get3A_7 : f32 to vector<1x12544xf32>
    %add3A_8 = arith.addf %dot_general3A_5, %add3A : vector<1x12544xf32>
    %add3A_9 = arith.constant 0 : i32
    %add3A_10 = arith.addi %arg0, %add3A_9 : i32
    %mul3A = arith.constant 12544 : i32
    %mul3A_11 = arith.muli %add3A_10, %mul3A : i32
    %iota3A = tpu.iota {dimensions = array<i32: 1>} : vector<1x12544xi32>
    %add3A_12 = vector.broadcast %mul3A_11 : i32 to vector<1x12544xi32>
    %add3A_13 = arith.addi %add3A_12, %iota3A : vector<1x12544xi32>
    %lt3A = arith.constant 100000 : i32
    %lt3A_14 = vector.broadcast %lt3A : i32 to vector<1x12544xi32>
    %lt3A_15 = arith.cmpi slt, %add3A_13, %lt3A_14 : vector<1x12544xi32>
    %jit3A = arith.constant 0.000000e+00 : f32
    %broadcast_in_dim3A = vector.broadcast %jit3A : f32 to vector<1x12544xf32>
    %select_n3A = arith.select %lt3A_15, %add3A_8, %broadcast_in_dim3A : vector<1x12544xi1>, vector<1x12544xf32>
    %swap3A = arith.constant 0 : index
    %swap3A_16 = arith.constant 0 : index
    %swap3A_17 = arith.constant 0 : index
    %swap3A_18 = vector.load %arg4[%swap3A, %swap3A_16, %swap3A_17] : memref<1x1x12544xf32, #tpu.memory_space<vmem>>, vector<1x1x12544xf32>
    %swap3A_19 = vector.shape_cast %swap3A_18 : vector<1x1x12544xf32> to vector<1x12544xf32>
    %swap3A_20 = vector.shape_cast %select_n3A : vector<1x12544xf32> to vector<1x1x12544xf32>
    tpu.vector_store %arg4[%swap3A, %swap3A_16, %swap3A_17], %swap3A_20 {strides = array<i32>} : memref<1x1x12544xf32, #tpu.memory_space<vmem>>, vector<1x1x12544xf32>,
    return
  }
  func.func @transform_0(%arg0: i32) -> (i32, i32) {
    %add3A = arith.constant 0 : i32
    %add3A_0 = arith.addi %arg0, %add3A : i32
    %c0_i32 = arith.constant 0 : i32
    %c0_i32_1 = arith.constant 0 : i32
    return %add3A_0, %c0_i32 : i32, i32
  }
  func.func @transform_1(%arg0: i32) -> (i32, i32) {
    %c0_i32 = arith.constant 0 : i32
    %c0_i32_0 = arith.constant 0 : i32
    %c0_i32_1 = arith.constant 0 : i32
    return %c0_i32, %c0_i32_0 : i32, i32
  }
  func.func @transform_2(%arg0: i32) -> i32 {
    %c0_i32 = arith.constant 0 : i32
    %c0_i32_0 = arith.constant 0 : i32
    return %c0_i32 : i32
  }
  func.func @transform_3(%arg0: i32) -> (i32, i32, i32) {
    %c0_i32 = arith.constant 0 : i32
    %c0_i32_0 = arith.constant 0 : i32
    %c0_i32_1 = arith.constant 0 : i32
    return %arg0, %c0_i32, %c0_i32_0 : i32, i32, i32
  }
}

module attributes {stable_mosaic.version = 14 : i64} {
  func.func @body(%arg0: i32, %arg1: memref<12544x128xf32, #tpu.memory_space<vmem>>, %arg2: memref<1x128xf32, #tpu.memory_space<vmem>>, %arg3: memref<1xf32, #tpu.memory_space<smem>>, %arg4: memref<1x1x12544xf32, #tpu.memory_space<vmem>>) attributes {dimension_semantics = [#tpu.dimension_semantics<arbitrary>], iteration_bounds = array<i64: 4>, scalar_prefetch = 0 : i64, scratch_operands = 0 : i64, tpu.core_type = #tpu.core_type<tc>, window_params = [{transform_indices = @transform_0, window_bounds = array<i64: 12544, 128>}, {pipeline_mode = #tpu.pipeline_mode<synchronous>, transform_indices = @transform_1, window_bounds = array<i64: 1, 128>}, {transform_indices = @transform_2, window_bounds = array<i64: 1>}, {transform_indices = @transform_3, window_bounds = array<i64: 1, 1, 12544>}]} {
    %get3A = arith.constant 0 : index
    %get3A_0 = arith.constant 0 : index
    %get3A_1 = vector.load %arg2[%get3A, %get3A_0] : memref<1x128xf32, #tpu.memory_space<vmem>>, vector<1x128xf32>
    %get3A_2 = arith.constant 0 : index
    %get3A_3 = arith.constant 0 : index
    %get3A_4 = vector.load %arg1[%get3A_2, %get3A_3] : memref<12544x128xf32, #tpu.memory_space<vmem>>, vector<12544x128xf32>
    %dot_general3A = arith.constant dense<0.000000e+00> : vector<1x12544xf32>
    %dot_general3A_5 = tpu.matmul %get3A_1, %get3A_4, %dot_general3A {dimension_numbers = #tpu.dot_dimension_numbers<[1], [1], [0], [0], [0, 0, 1, 0], [], []>, transpose_lhs_hint = false} : vector<1x128xf32>, vector<12544x128xf32>, vector<1x12544xf32> -> vector<1x12544xf32>
    %get3A_6 = arith.constant 0 : index
    %get3A_7 = memref.load %arg3[%get3A_6] : memref<1xf32, #tpu.memory_space<smem>>
    %add3A = vector.broadcast %get3A_7 : f32 to vector<1x12544xf32>
    %add3A_8 = arith.addf %dot_general3A_5, %add3A : vector<1x12544xf32>
    %add3A_9 = arith.constant 4 : i32
    %add3A_10 = arith.addi %arg0, %add3A_9 : i32
    %mul3A = arith.constant 12544 : i32
    %mul3A_11 = arith.muli %add3A_10, %mul3A : i32
    %iota3A = tpu.iota {dimensions = array<i32: 1>} : vector<1x12544xi32>
    %add3A_12 = vector.broadcast %mul3A_11 : i32 to vector<1x12544xi32>
    %add3A_13 = arith.addi %add3A_12, %iota3A : vector<1x12544xi32>
    %lt3A = arith.constant 100000 : i32
    %lt3A_14 = vector.broadcast %lt3A : i32 to vector<1x12544xi32>
    %lt3A_15 = arith.cmpi slt, %add3A_13, %lt3A_14 : vector<1x12544xi32>
    %jit3A = arith.constant 0.000000e+00 : f32
    %broadcast_in_dim3A = vector.broadcast %jit3A : f32 to vector<1x12544xf32>
    %select_n3A = arith.select %lt3A_15, %add3A_8, %broadcast_in_dim3A : vector<1x12544xi1>, vector<1x12544xf32>
    %swap3A = arith.constant 0 : index
    %swap3A_16 = arith.constant 0 : index
    %swap3A_17 = arith.constant 0 : index
    %swap3A_18 = vector.load %arg4[%swap3A, %swap3A_16, %swap3A_17] : memref<1x1x12544xf32, #tpu.memory_space<vmem>>, vector<1x1x12544xf32>
    %swap3A_19 = vector.shape_cast %swap3A_18 : vector<1x1x12544xf32> to vector<1x12544xf32>
    %swap3A_20 = vector.shape_cast %select_n3A : vector<1x12544xf32> to vector<1x1x12544xf32>
    tpu.vector_store %arg4[%swap3A, %swap3A_16, %swap3A_17], %swap3A_20 {strides = array<i32>} : memref<1x1x12544xf32, #tpu.memory_space<vmem>>, vector<1x1x12544xf32>,
    return
  }
  func.func @transform_0(%arg0: i32) -> (i32, i32) {
    %add3A = arith.constant 4 : i32
    %add3A_0 = arith.addi %arg0, %add3A : i32
    %c0_i32 = arith.constant 0 : i32
    %c0_i32_1 = arith.constant 0 : i32
    return %add3A_0, %c0_i32 : i32, i32
  }
  func.func @transform_1(%arg0: i32) -> (i32, i32) {
    %c0_i32 = arith.constant 0 : i32
    %c0_i32_0 = arith.constant 0 : i32
    %c0_i32_1 = arith.constant 0 : i32
    return %c0_i32, %c0_i32_0 : i32, i32
  }
  func.func @transform_2(%arg0: i32) -> i32 {
    %c0_i32 = arith.constant 0 : i32
    %c0_i32_0 = arith.constant 0 : i32
    return %c0_i32 : i32
  }
  func.func @transform_3(%arg0: i32) -> (i32, i32, i32) {
    %c0_i32 = arith.constant 0 : i32
    %c0_i32_0 = arith.constant 0 : i32
    %c0_i32_1 = arith.constant 0 : i32
    return %arg0, %c0_i32, %c0_i32_0 : i32, i32, i32
  }
}

</mosaic_0001>

<sc_bundles>
// kernel: kernel.6.cloned.1.call-start
scs
__scs_entry_jumppad:
0x0: {  	(pc) =	sbr.rel $0x88, $3  }
0x1: {  	(tag) =	ssettag $0x0;
	lr =	simm.s32 $0x1  }
0x2: {  	[smem:$0x3F9D] =	sst lr;
	_ =	strace $0xD0000000  }
0x3: {  	_ = 	snop  }
0x4: {  	_ = 	snop  }
0x5: {  	_ = 	snop  }
0x6: {  	_ = 	snop  }
0x7: {  	_ = 	snop  }
__scs_overlays_trampoline_lowered:
0x8: {  	[smem:$0x3FAC] =	sst s0  }
0x9: {  	[smem:$0x3FAD] =	sst s1  }
0xa: {  	[smem:$0x3FAE] =	sst s2  }
0xb: {  	[smem:$0x3FAF] =	sst s3  }
0xc: {  	[smem:$0x3FB0] =	sst s4  }
0xd: {  	[smem:$0x3FB1] =	sst s5  }
0xe: {  	[smem:$0x3FB2] =	sst s6  }
0xf: {  	[smem:$0x3FB3] =	sst s7  }
0x10: {  	[smem:$0x3FB4] =	sst s8  }
0x11: {  	[smem:$0x3FB5] =	sst s9;
	s0 =	simm.s32 @!p0 $0x0  }
0x12: {  	s1 =	sld [smem:$0x3F9B];
	s0 =	simm.s32 @p0 $0x1  }
0x13: {  	[smem:$0x3FB6] =	sst s0;
	s0 =	simm.s32 @!p1 $0x0  }
0x14: {  	s2 =	sld [smem:$0x3F9A];
	s0 =	simm.s32 @p1 $0x1  }
0x15: {  	[smem:$0x3FB7] =	sst s0;
	s0 =	simm.s32 @!p2 $0x0  }
0x16: {  	s3 =	sld [smem:$0x3FDB];
	s0 =	simm.s32 @p2 $0x1  }
0x17: {  	s4 =	simm.s32 $0x1BF5;
	[smem:$0x3FB9] =	sst s0  }
0x18: {  	s0 =	sld [smem:$0x3F9C];
	_ =	swait.ge [sflag:s4], $0x0  }
0x19: {  	s7 =	sld [smem:$0x3F9D]  }
0x1a: {  	s8 =	sadd.s32 $0xFFFFE003, lr  }
0x1b: {  	s9 =	sadd.s32 $0xFFFFFEF7, lr;
	s5 =	simm.s32 $0xFFFFFFFF;
	p2 =	slt.u32 s8, $0xFFFFF086  }
0x1c: {  	p1 =	slt.u32 s9, $0xF7A;
	s5 =	simm.s32 @!p2 $0x0  }
0x1d: {  	s5 =	simm.s32 @p1 $0x1;
	p0 =	seq.s32 s7, s2  }
0x1e: {  	s7 =	smul.u32 @!p0 $0xF7A, s2;
	p2 =	seq.s32 @!p0 s5, $0x0  }
0x1f: {  	s9 =	smul.u32 $0xF7A, s1;
	s8 =	simm.s32 @!p0 $0x1BF5;
	p2 =	por !p2, p0  }
0x20: {  	[sflag:s8] =	ssyncset.s32 @!p0 $0xFFFFF086;
	s6 =	sadd.s32 @!p0 s3, s7;
	s7 =	simm.s32 @!p0 $0x108  }
0x21: {  	s3 =	sadd.s32 s3, s9;
	s6 =	sadd.s32 @!p0 $0x88, s6;
	s7 =	simm.s32 @p2 $0x1082  }
0x22: {  	[simem:s7], [sflag:s8] =	dma.local @!p0 [hbm:s6], $0xF7A  }
0x23: {  	s9 =	sor.u32 $0xD0000000, s2;
	s6 =	simm.s32 $0x108;
	_ =	swait.ge @!p0 [sflag:s8], $0x0  }
0x24: {  	s3 =	sadd.s32 $0x88, s3;
	s6 =	simm.s32 @!p1 $0x1082;
	[sflag:s4] =	ssyncset.s32 $0xFFFFF086  }
0x25: {  	[simem:s6], [sflag:s4] =	dma.local [hbm:s3], $0xF7A  }
0x26: {  	[smem:$0x3F9D] =	sst s1;
	(tag) =	ssettag s2;
	_ =	strace s9  }
0x27: {  	s1 =	sld [smem:$0x3FAD]  }
0x28: {  	s2 =	sld [smem:$0x3FAE]  }
0x29: {  	s4 =	sld [smem:$0x3FB0]  }
0x2a: {  	p0 =	seq.s32 s5, $0x0;
	s5 =	sld [smem:$0x3FB1]  }
0x2b: {  	s6 =	sld [smem:$0x3FB2]  }
0x2c: {  	s7 =	sld [smem:$0x3FB3]  }
0x2d: {  	s3 =	simm.s32 $0x108;
	s8 =	sld [smem:$0x3FB4]  }
0x2e: {  	s3 =	simm.s32 @!p0 $0x1082;
	s9 =	sld [smem:$0x3FB5]  }
0x2f: {  	lr =	sadd.s32 s0, s3;
	s0 =	sld [smem:$0x3FAC]  }
0x30: {  	s3 =	sld [smem:$0x3FAF]  }
0x31: {  	[smem:$0x3FB8] =	sst s10  }
0x32: {  	s10 =	sld [smem:$0x3FB6];
	_ =	sdelay $0x3  }
0x33: {  	p0 =	seq.s32 s10, $0x1;
	s10 =	sld [smem:$0x3FB8];
	_ =	sdelay $0x3  }
0x34: {  	[smem:$0x3FB8] =	sst s10  }
0x35: {  	s10 =	sld [smem:$0x3FB7];
	_ =	sdelay $0x3  }
0x36: {  	p1 =	seq.s32 s10, $0x1;
	s10 =	sld [smem:$0x3FB8];
	_ =	sdelay $0x3  }
0x37: {  	[smem:$0x3FB8] =	sst s10  }
0x38: {  	s10 =	sld [smem:$0x3FB9]  }
0x39: {  	_ = 	snop;
	(pc) =	sbr.ind lr, $3  }
0x3a: {  	_ = 	snop  }
0x3b: {  	_ = 	snop  }
0x3c: {  	p2 =	seq.s32 s10, $0x1;
	s10 =	sld [smem:$0x3FB8]  }
0x3d: {  	_ =	shalt  }
0x3e: {  	_ =	shalt  }
0x3f: {  	_ =	shalt  }
0x40: {  	_ =	shalt  }
0x41: {  	_ =	shalt  }
0x42: {  	_ =	shalt  }
0x43: {  	_ =	shalt  }
0x44: {  	_ =	shalt  }
0x45: {  	_ =	shalt  }
0x46: {  	_ =	shalt  }
0x47: {  	_ =	shalt  }
0x48: {  	_ =	shalt  }
0x49: {  	_ =	shalt  }
0x4a: {  	_ =	shalt  }
0x4b: {  	_ =	shalt  }
0x4c: {  	_ =	shalt  }
0x4d: {  	_ =	shalt  }
0x4e: {  	_ =	shalt  }
0x4f: {  	_ =	shalt  }
0x50: {  	_ =	shalt  }
0x51: {  	_ =	shalt  }
0x52: {  	_ =	shalt  }
0x53: {  	_ =	shalt  }
0x54: {  	_ =	shalt  }
0x55: {  	_ =	shalt  }
0x56: {  	_ =	shalt  }
0x57: {  	_ =	shalt  }
0x58: {  	_ =	shalt  }
0x59: {  	_ =	shalt  }
0x5a: {  	_ =	shalt  }
0x5b: {  	_ =	shalt  }
0x5c: {  	_ =	shalt  }
0x5d: {  	_ =	shalt  }
0x5e: {  	_ =	shalt  }
0x5f: {  	_ =	shalt  }
0x60: {  	_ =	shalt  }
0x61: {  	_ =	shalt  }
0x62: {  	_ =	shalt  }
0x63: {  	_ =	shalt  }
0x64: {  	_ =	shalt  }
0x65: {  	_ =	shalt  }
0x66: {  	_ =	shalt  }
0x67: {  	_ =	shalt  }
0x68: {  	_ =	shalt  }
0x69: {  	_ =	shalt  }
0x6a: {  	_ =	shalt  }
0x6b: {  	_ =	shalt  }
0x6c: {  	_ =	shalt  }
0x6d: {  	_ =	shalt  }
0x6e: {  	_ =	shalt  }
0x6f: {  	_ =	shalt  }
0x70: {  	_ =	shalt  }
0x71: {  	_ =	shalt  }
0x72: {  	_ =	shalt  }
0x73: {  	_ =	shalt  }
0x74: {  	_ =	shalt  }
0x75: {  	_ =	shalt  }
0x76: {  	_ =	shalt  }
0x77: {  	_ =	shalt  }
0x78: {  	_ =	shalt  }
0x79: {  	_ =	shalt  }
0x7a: {  	_ =	shalt  }
0x7b: {  	_ =	shalt  }
0x7c: {  	_ =	shalt  }
0x7d: {  	_ =	shalt  }
0x7e: {  	_ =	shalt  }
0x7f: {  	_ =	shalt  }
0x80: {  	_ =	shalt  }
0x81: {  	_ =	shalt  }
0x82: {  	_ =	shalt  }
0x83: {  	_ =	shalt  }
0x84: {  	_ =	shalt  }
0x85: {  	_ =	shalt  }
0x86: {  	_ =	shalt  }
0x87: {  	_ =	shalt  }
.Lfunc_end0:
.L_simem_size_0:
called_computation_lowered:
.L_overlay_start_0:
0x88: {  	s0 =	sld [smem:$0x3FD9]  }
0x89: {  	s1 =	sld [smem:$0x3FFE];
	_ =	sdelay $0x3  }
0x8a: {  	s0 =	sadd.s32 s1, s0  }
0x8b: {  	[smem:$0x3FC4] =	sst s0  }
0x8c: {  	_ = 	snop  }
0x8d: {  	s0 =	sld [smem:$0x3FC8];
	(tm) =	ssettm $0x1  }
0x8e: {  	s16 =	sld [smem:$0x3FFB];
	_ =	sdelay $0x3  }
0x8f: {  	_ =	strace s16  }
0x90: {  	s1 =	sld [smem:$0x3FFC];
	_ =	sdelay $0x3  }
0x91: {  	_ =	strace s1  }
0x92: {  	s1 =	sld [smem:$0x3FFD];
	_ =	sdelay $0x3  }
0x93: {  	_ =	strace s1  }
0x94: {  	_ =	strace $0x8FFFFFFF  }
0x95: {  	s17 =	sld [smem:$0x3FDB];
	_ =	sdelay $0x1  }
0x96: {  	s2 =	simm.s32 $_scs_section_size  }
0x97: {  	s3 =	simm.s32 $_size__tile_overlayer_lowered;
	s4 =	simm.s32 $_tile_overlayer_lowered  }
0x98: {  	s20 =	simm.s32 $0x1BFF;
	s19 =	sshll.u32 s4, $0x1;
	s1 =	sadd.s32 s2, s17  }
0x99: {  	s5 =	simm.s32 $0x0;
	s18 =	sshll.u32 s3, $0x1;
	s3 =	sadd.s32 s19, s1  }
0x9a: {  	[timem:s5], [sflag:s20] =	dma.local [hbm:s3], s18  }
0x9b: {  	_ =	swait.ge [sflag:s20], s18  }
0x9c: {  	s2 =	ssub.s32 $0x0, s18;
	[sflag:s20] =	ssyncset.done $0x0  }
0x9d: {  	[sflag:s20] =	ssyncadd.s32 s2;
	_ =	sdelay $0x1  }
0x9e: {  	s21 =	simm.s32 $0x1B8B  }
0x9f: {  	_ =	swait.ge [sflag:s21], $0x1  }
0xa0: {  	[sflag:s21] =	ssyncset.done $0x0  }
0xa1: {  	s23 =	simm.s32 $0x1B8E;
	s22 =	sld [smem:$0x3FFE];
	[sflag:s21] =	ssyncadd.s32 $0xFFFFFFFF  }
0xa2: {  	s24 =	simm.s32 $execute0_lowered;
	[smem:$0x3FD2] =	sst s23  }
0xa3: {  	s3 =	sshll.u32 s24, $0x1;
	_ =	strace $0x80000046;
	[dreg:$0x1] =	wrdreg $0xFFFFFFFF  }
0xa4: {  	s25 =	simm.s32 $_size_execute0_lowered;
	s1 =	sadd.s32 s1, s3;
	[dreg:$0x0] =	wrdreg $0x0  }
0xa5: {  	s3 =	sshll.u32 s25, $0x1;
	[dreg:$0x2] =	wrdreg s1  }
0xa6: {  	[dreg:$0x3] =	wrdreg s3  }
0xa7: {  	[dreg:$0x4] =	wrdreg $0xC0  }
0xa8: {  	_ =	task [dreg:s5], $0x5FFFF  }
0xa9: {  	[dreg:$0x1] =	wrdreg $0xFFFFFFFF  }
0xaa: {  	[dreg:$0x0] =	wrdreg $0x60  }
0xab: {  	[dreg:$0x2] =	wrdreg s22  }
0xac: {  	[dreg:$0x3] =	wrdreg s0  }
0xad: {  	[dreg:$0x4] =	wrdreg $0x3A000  }
0xae: {  	[dreg:$0x5] =	wrdreg $0x9  }
0xaf: {  	_ =	task.clear_ibuf [dreg:s5], $0x6FFFF;
	_ =	strace $0x90000046  }
0xb0: {  	s26 =	simm.s32 $0x9;
	_ =	strace $0x80000048  }
0xb1: {  	_ =	swait.ge [sflag:s26], $0x1  }
0xb2: {  	[sflag:s26] =	ssyncadd.s32 $0xFFFFFFFF  }
0xb3: {  	_ =	strace $0x90000048  }
0xb4: {  	_ =	sfence  }
0xb5: {  	s28 =	sld [smem:$0x0];
	_ =	sdelay $0x1  }
0xb6: {  	s29 =	srdreg.scid  }
0xb7: {  	s30 =	sshll.u32 s29, $0xD;
	s31 =	sshrl.u32 s29, $0x2  }
0xb8: {  	s2 =	sand.u32 $0x4000, s30;
	s1 =	sand.u32 $0x1, s29;
	s0 =	sadd.s32 s31, s28  }
0xb9: {  	s1 =	sor.u32 s2, s1;
	s0 =	sshll.u32 s0, $0x11  }
0xba: {  	s0 =	sor.u32 s0, s1  }
0xbb: {  	s0 =	sadd.s32 $0x8F2B, s0  }
0xbc: {  	[sflag:s0] =	ssyncadd.remote.s32 $0x1  }
0xbd: {  	_ =	sfence.sel $0xFFFF  }
0xbe: {  	[dreg:$0x0] =	wrdreg $0xFFFFFFFF;
	(pc) =	sbr.abs _section_cstart, $3  }
0xbf: {  	[dreg:$0x1] =	wrdreg $0xFFFFFFFF  }
0xc0: {  	_ =	task.clear_ibuf [dreg:s5], $0x2FFFF;
	_ =	strace $0x9FFFFFFF  }
0xc1: {  	(tm) =	ssettm $0x7FFFFFFF  }
tec
execute0_lowered:
.L_overlay_start_1:
0x0: {  	(tag) =	ssettag $0x1  }
0x1: {  	s2 =	rddreg [dreg:$0x0]  }
0x2: {  	s3 =	rddreg [dreg:$0x1]  }
0x3: {  	s5 =	rddreg [dreg:$0x2]  }
0x4: {  	s0 =	rddreg [dreg:$0x3];
	s4 =	simm.s32 $0x0;
	s1 =	stileid.u32  }
0x5: {  	s26 =	simm.s32 $0xC80;
	s30 =	simm.s32 $0x2;
	s6 =	smul.u32 $0x188, s1  }
0x6: {  	[smem:$0x7FF] =	sst s4;
	s8 =	sshll.u32 s1, $0x5;
	s9 =	sshll.u32 s1, $0xC  }
0x7: {  	s25 =	sshll.u32 s1, $0x7;
	s31 =	sshll.u32 s1, $0xB;
	s7 =	sadd.s32 s6, s2  }
0x8: {  	_ =	strace $0x80000047;
	s24 =	sand.u32 $0x8000, s9;
	s7 =	sadd.s32 $0xE00, s7  }
0x9: {  	[tilespmem:s4], [sflag:$0x1] =	stream.linear.gather [hbm4b:s7+s4], $0xC40, $0x38;
	[tilespmem:$0x4A00] =	vst v63  }
0xa: {  	s28 =	sand.u32 $0x380, s25;
	s2 =	sadd.s32 s8, s2;
	s3 =	sadd.s32 s3, s6  }
0xb: {  	[tilespmem:s26], [sflag:$0x2] =	stream.linear.gather [hbm4b:s3+s4], $0xC40, $0x38;
	[tilespmem:$0x4A00] =	vst v63  }
0xc: {  	s29 =	sadd.s32 s24, s5;
	s6 =	simm.s32 $0x200;
	_ =	swait.ge [sflag:s30], $0xC40  }
0xd: {  	s2 =	sadd.s32 $0x2800, s2;
	s4 =	sadd.s32 s28, s29;
	[sflag:s30] =	ssyncset.done $0x0  }
0xe: {  	v0 =	vimm.f32 $0.0e+00;
	s3 =	sadd.s32 s31, s5;
	s5 =	simm.s32 $0x0;
	[sflag:s30] =	ssyncadd.s32 $0xFFFFF3C0  }
.LBB2_1:
0xf: {  	p0 =	sne.s32 s6, $0x3E00;
	[tilespmem:s5+$0x1970] =	vst v0  }
0x10: {  	[tilespmem:s5+$0x1900] =	vst v0  }
0x11: {  	[tilespmem:s5+$0x1910] =	vst v0  }
.Ltmp0:
0x12: {  	[tilespmem:s5+$0x1920] =	vst v0;
	(pc) =	sbr.rel @p0 .LBB2_1-.Ltmp0, $4  }
0x13: {  	[tilespmem:s5+$0x1930] =	vst v0  }
0x14: {  	[tilespmem:s5+$0x1940] =	vst v0  }
0x15: {  	[tilespmem:s5+$0x1950] =	vst v0  }
0x16: {  	[tilespmem:s5+$0x1960] =	vst v0;
	s5 =	sshra.s32 s6, $0x2;
	s6 =	sadd.s32 $0x200, s6  }
0x17: {  	[tilespmem:s5+$0x1970] =	vst v0  }
0x18: {  	[tilespmem:s5+$0x1900] =	vst v0  }
0x19: {  	[tilespmem:s5+$0x1910] =	vst v0  }
0x1a: {  	[tilespmem:s5+$0x1920] =	vst v0  }
0x1b: {  	[tilespmem:s5+$0x1930] =	vst v0  }
0x1c: {  	[tilespmem:s5+$0x1940] =	vst v0  }
0x1d: {  	[tilespmem:s5+$0x1950] =	vst v0  }
0x1e: {  	[tilespmem:s5+$0x1960] =	vst v0;
	s31 =	simm.s32 $0x1  }
0x1f: {  	_ =	swait.ge [sflag:s31], $0xC40  }
0x20: {  	[sflag:s31] =	ssyncset.done $0x0  }
0x21: {  	s5 =	simm.s32 $0x0;
	s6 =	simm.s32 $0x1900;
	[sflag:s31] =	ssyncadd.s32 $0xFFFFF3C0  }
.LBB2_3:
0x22: {  	s7 =	sshra.s32 s5, $0x2  }
0x23: {  	v0 =	vld [tilespmem:s7+$0xC80];
	_ =	sdelay $0x2  }
0x24: {  	v1 =	vld [tilespmem:s7+$0x0];
	_ =	sdelay $0x4  }
0x25: {  	[tilespmem:v0+s6+$0x0] =	vst.idx.add.f32.msk $0xffff, v1  }
0x26: {  	v0 =	vld [tilespmem:s7+$0xC90];
	_ =	sdelay $0x2  }
0x27: {  	v1 =	vld [tilespmem:s7+$0x10];
	_ =	sdelay $0x4  }
0x28: {  	[tilespmem:v0+s6+$0x0] =	vst.idx.add.f32.msk $0xffff, v1  }
0x29: {  	v0 =	vld [tilespmem:s7+$0xCA0];
	_ =	sdelay $0x2  }
0x2a: {  	v1 =	vld [tilespmem:s7+$0x20];
	_ =	sdelay $0x4  }
0x2b: {  	[tilespmem:v0+s6+$0x0] =	vst.idx.add.f32.msk $0xffff, v1  }
0x2c: {  	v0 =	vld [tilespmem:s7+$0xCB0];
	_ =	sdelay $0x2  }
0x2d: {  	p0 =	sne.s32 s5, $0x3000;
	v1 =	vld [tilespmem:s7+$0x30]  }
.Ltmp1:
0x2e: {  	_ = 	snop;
	(pc) =	sbr.rel @p0 .LBB2_3-.Ltmp1, $2  }
0x2f: {  	_ =	sdelay $0x2  }
0x30: {  	s5 =	sadd.s32 $0x100, s5;
	[tilespmem:v0+s6+$0x0] =	vst.idx.add.f32.msk $0xffff, v1  }
0x31: {  	s5 =	simm.s32 $0x80  }
0x32: {  	s6 =	simm.s32 $0x400;
	s7 =	simm.s32 $0x1900;
	s23 =	simm.s32 $0x2  }
0x33: {  	[spmem:s4] =	stream.strided.scatter [tilespmem:s7], [sflag:$0x2], $0x1000, s6, s5, $0x38;
	[tilespmem:$0x4A00] =	vst v63  }
0x34: {  	_ =	swait.ge [sflag:s23], $0x1000  }
0x35: {  	[sflag:s23] =	ssyncset.done $0x0  }
0x36: {  	s24 =	simm.s32 $0x800;
	[sflag:s23] =	ssyncadd.s32 $0xFFFFF000  }
0x37: {  	s25 =	simm.s32 $0x8000;
	s26 =	simm.s32 $0x2900;
	[bflag:$0x0] =	sbarrier.arrive $0xFFFF  }
0x38: {  	[tilespmem:s26], [sflag:$0x2] =	stream.strided.gather [spmem:s3], $0x1000, s25, s24, $0x38;
	[tilespmem:$0x4A00] =	vst v63  }
0x39: {  	s28 =	simm.s32 $0x0;
	_ =	swait.ge [sflag:s23], $0x1000  }
0x3a: {  	s29 =	sand.u32 $0x70, s28;
	s3 =	sand.u32 $0x400, s28;
	[sflag:s23] =	ssyncset.done $0x0  }
0x3b: {  	s3 =	sor.u32 s29, s3;
	[sflag:s23] =	ssyncadd.s32 $0xFFFFF000  }
0x3c: {  	v0 =	vld [tilespmem:s3+$0x2980]  }
0x3d: {  	v1 =	vld [tilespmem:s3+$0x2900];
	_ =	sdelay $0x1  }
0x3e: {  	v2 =	vld [tilespmem:s3+$0x2A00];
	_ =	sdelay $0x1  }
0x3f: {  	v3 =	vld [tilespmem:s3+$0x2A80]  }
0x40: {  	v0 =	vadd.f32 v0, v1  }
0x41: {  	v52 =	vld [tilespmem:s3+$0x2B00]  }
0x42: {  	v0 =	vadd.f32 v2, v0  }
0x43: {  	v53 =	vld [tilespmem:s3+$0x2B80]  }
0x44: {  	v0 =	vadd.f32 v3, v0  }
0x45: {  	v54 =	vld [tilespmem:s3+$0x2C00]  }
0x46: {  	v0 =	vadd.f32 v52, v0  }
0x47: {  	v55 =	vld [tilespmem:s3+$0x2C80]  }
0x48: {  	v0 =	vadd.f32 v53, v0  }
0x49: {  	v56 =	vld [tilespmem:s3+$0x3100]  }
0x4a: {  	v0 =	vadd.f32 v54, v0  }
0x4b: {  	v57 =	vld [tilespmem:s3+$0x3180]  }
0x4c: {  	v0 =	vadd.f32 v55, v0  }
0x4d: {  	v58 =	vld [tilespmem:s3+$0x3200]  }
0x4e: {  	v0 =	vadd.f32 v56, v0  }
0x4f: {  	v59 =	vld [tilespmem:s3+$0x3280]  }
0x50: {  	v0 =	vadd.f32 v57, v0  }
0x51: {  	v60 =	vld [tilespmem:s3+$0x3300]  }
0x52: {  	v0 =	vadd.f32 v58, v0  }
0x53: {  	v61 =	vld [tilespmem:s3+$0x3380]  }
0x54: {  	v0 =	vadd.f32 v59, v0  }
0x55: {  	v62 =	vld [tilespmem:s3+$0x3400]  }
0x56: {  	v0 =	vadd.f32 v60, v0  }
0x57: {  	v63 =	vld [tilespmem:s3+$0x3480]  }
0x58: {  	v0 =	vadd.f32 v61, v0;
	_ =	sdelay $0x1  }
0x59: {  	v0 =	vadd.f32 v62, v0;
	_ =	sdelay $0x1  }
0x5a: {  	s30 =	simm.s32 $0x10;
	s5 =	simm.s32 $0x80;
	v0 =	vadd.f32 v63, v0  }
0x5b: {  	s4 =	sand.u32 $0x70, s30;
	s31 =	sand.u32 $0x400, s5;
	s3 =	simm.s32 $0x3900  }
0x5c: {  	s6 =	simm.s32 $0x20;
	s4 =	sor.u32 s4, s31;
	[tilespmem:s3+$0x0] =	vst v0  }
.LBB2_5:
0x5d: {  	p0 =	sne.s32 s6, $0xF0;
	v0 =	vld [tilespmem:s4+$0x2980]  }
0x5e: {  	v1 =	vld [tilespmem:s4+$0x2900];
	_ =	sdelay $0x1  }
0x5f: {  	v2 =	vld [tilespmem:s4+$0x2A00];
	_ =	sdelay $0x1  }
0x60: {  	v3 =	vld [tilespmem:s4+$0x2A80]  }
0x61: {  	v0 =	vadd.f32 v0, v1  }
0x62: {  	v1 =	vld [tilespmem:s4+$0x2B00]  }
0x63: {  	v0 =	vadd.f32 v2, v0  }
0x64: {  	v2 =	vld [tilespmem:s4+$0x2B80]  }
0x65: {  	v0 =	vadd.f32 v3, v0  }
0x66: {  	v3 =	vld [tilespmem:s4+$0x2C00]  }
0x67: {  	v0 =	vadd.f32 v1, v0  }
0x68: {  	v1 =	vld [tilespmem:s4+$0x2C80]  }
0x69: {  	v0 =	vadd.f32 v2, v0  }
0x6a: {  	v2 =	vld [tilespmem:s4+$0x3100]  }
0x6b: {  	v0 =	vadd.f32 v3, v0  }
0x6c: {  	v3 =	vld [tilespmem:s4+$0x3180]  }
0x6d: {  	v0 =	vadd.f32 v1, v0  }
0x6e: {  	v1 =	vld [tilespmem:s4+$0x3200]  }
0x6f: {  	v0 =	vadd.f32 v2, v0  }
0x70: {  	v2 =	vld [tilespmem:s4+$0x3280]  }
0x71: {  	v0 =	vadd.f32 v3, v0  }
0x72: {  	v3 =	vld [tilespmem:s4+$0x3300]  }
0x73: {  	v0 =	vadd.f32 v1, v0  }
0x74: {  	v1 =	vld [tilespmem:s4+$0x3380]  }
0x75: {  	v0 =	vadd.f32 v2, v0  }
0x76: {  	v2 =	vld [tilespmem:s4+$0x3400]  }
0x77: {  	v0 =	vadd.f32 v3, v0  }
0x78: {  	v3 =	vld [tilespmem:s4+$0x3480]  }
0x79: {  	v0 =	vadd.f32 v1, v0;
	_ =	sdelay $0x1  }
.Ltmp2:
0x7a: {  	v0 =	vadd.f32 v2, v0;
	(pc) =	sbr.rel @p0 .LBB2_5-.Ltmp2, $4  }
0x7b: {  	_ = 	snop  }
0x7c: {  	s5 =	sadd.s32 $0x80, s5;
	v0 =	vadd.f32 v3, v0  }
0x7d: {  	s3 =	sadd.s32 $0x10, s3;
	s7 =	sand.u32 $0x400, s5;
	s4 =	sand.u32 $0x70, s6  }
0x7e: {  	s6 =	sadd.s32 $0x10, s6;
	s4 =	sor.u32 s4, s7;
	[tilespmem:s3+$0x0] =	vst v0  }
0x7f: {  	v0 =	vld [tilespmem:s4+$0x2980]  }
0x80: {  	v1 =	vld [tilespmem:s4+$0x2900];
	_ =	sdelay $0x1  }
0x81: {  	v2 =	vld [tilespmem:s4+$0x2A00];
	_ =	sdelay $0x1  }
0x82: {  	v3 =	vld [tilespmem:s4+$0x2A80]  }
0x83: {  	v0 =	vadd.f32 v0, v1  }
0x84: {  	v52 =	vld [tilespmem:s4+$0x2B00]  }
0x85: {  	v0 =	vadd.f32 v2, v0  }
0x86: {  	v53 =	vld [tilespmem:s4+$0x2B80]  }
0x87: {  	v0 =	vadd.f32 v3, v0  }
0x88: {  	v54 =	vld [tilespmem:s4+$0x2C00]  }
0x89: {  	v0 =	vadd.f32 v52, v0  }
0x8a: {  	v55 =	vld [tilespmem:s4+$0x2C80]  }
0x8b: {  	v0 =	vadd.f32 v53, v0  }
0x8c: {  	v56 =	vld [tilespmem:s4+$0x3100]  }
0x8d: {  	v0 =	vadd.f32 v54, v0  }
0x8e: {  	v57 =	vld [tilespmem:s4+$0x3180]  }
0x8f: {  	v0 =	vadd.f32 v55, v0  }
0x90: {  	v58 =	vld [tilespmem:s4+$0x3200]  }
0x91: {  	v0 =	vadd.f32 v56, v0  }
0x92: {  	v59 =	vld [tilespmem:s4+$0x3280]  }
0x93: {  	v0 =	vadd.f32 v57, v0  }
0x94: {  	v60 =	vld [tilespmem:s4+$0x3300]  }
0x95: {  	v0 =	vadd.f32 v58, v0  }
0x96: {  	v61 =	vld [tilespmem:s4+$0x3380]  }
0x97: {  	v0 =	vadd.f32 v59, v0  }
0x98: {  	v62 =	vld [tilespmem:s4+$0x3400]  }
0x99: {  	v0 =	vadd.f32 v60, v0  }
0x9a: {  	v63 =	vld [tilespmem:s4+$0x3480]  }
0x9b: {  	v0 =	vadd.f32 v61, v0;
	_ =	sdelay $0x1  }
0x9c: {  	v0 =	vadd.f32 v62, v0;
	_ =	sdelay $0x1  }
0x9d: {  	v0 =	vadd.f32 v63, v0  }
0x9e: {  	s3 =	sadd.s32 $0x10, s3  }
0x9f: {  	s29 =	simm.s32 $0x0;
	s30 =	simm.s32 $0x3900;
	s31 =	simm.s32 $0x2;
	[tilespmem:s3+$0x0] =	vst v0  }
0xa0: {  	[hbm4b:s2+s29] =	stream.linear.scatter [tilespmem:s30], [sflag:$0x2], $0x100, $0x38;
	[tilespmem:$0x4A00] =	vst v63  }
0xa1: {  	_ =	swait.ge [sflag:s31], $0x100  }
0xa2: {  	[sflag:s31] =	ssyncset.done $0x0  }
0xa3: {  	[sflag:s31] =	ssyncadd.s32 $0xFFFFFF00  }
0xa4: {  	_ =	sfence.sel $0x180000  }
0xa5: {  	[bflag:$0x0] =	sbarrier.arrive $0xFFFF  }
0xa6: {  	p0 =	sne.s32 s1, $0x0;
	_ =	strace $0x90000047  }
0xa7: {  	s0 =	sadd.s32 @!p0 $0x100000, s0;
	[bflag:$0x2] =	sbarrier.arrive $0xFFFF  }
0xa8: {  	[sflag:s0] =	ssyncadd.tile.s32 @!p0 $0x1;
	_ =	shalt  }
.Lfunc_end2:
_tile_overlayer_lowered:
.L_overlay_start_2:
0xa9: {  	(tag) =	ssettag $0x2  }
0xaa: {  	s0 =	rddreg [dreg:$0x0];
	s2 =	stileid.u32  }
0xab: {  	s1 =	rddreg [dreg:$0x1];
	p0 =	sne.s32 s2, $0x0  }
0xac: {  	s3 =	rddreg [dreg:$0x2];
	[bflag:$0x3] =	sbarrier.arrive $0xFFFF;
	s2 =	simm.s32 @!p0 $0x1C02  }
0xad: {  	[timem:s3], [sflag:s2] =	dma.local @!p0 [hbm:s0], s1  }
0xae: {  	s0 =	simm.s32 @!p0 $0x2  }
0xaf: {  	_ =	swait.ge @!p0 [sflag:s0], s1  }
0xb0: {  	s1 =	ssub.s32 @!p0 $0x0, s1;
	[sflag:s0] =	ssyncset.done @!p0 $0x0  }
0xb1: {  	[sflag:s0] =	ssyncadd.s32 @!p0 s1  }
0xb2: {  	[bflag:$0x3] =	sbarrier.arrive $0xFFFF  }
0xb3: {  	_ =	shalt  }

// kernel: kernel.9.cloned.1.call-start
scs
__scs_entry_jumppad:
0x0: {  	(pc) =	sbr.rel $0x88, $3  }
0x1: {  	(tag) =	ssettag $0x0;
	lr =	simm.s32 $0x1  }
0x2: {  	[smem:$0x3F9D] =	sst lr;
	_ =	strace $0xD0000000  }
0x3: {  	_ = 	snop  }
0x4: {  	_ = 	snop  }
0x5: {  	_ = 	snop  }
0x6: {  	_ = 	snop  }
0x7: {  	_ = 	snop  }
__scs_overlays_trampoline_lowered:
0x8: {  	[smem:$0x3FAC] =	sst s0  }
0x9: {  	[smem:$0x3FAD] =	sst s1  }
0xa: {  	[smem:$0x3FAE] =	sst s2  }
0xb: {  	[smem:$0x3FAF] =	sst s3  }
0xc: {  	[smem:$0x3FB0] =	sst s4  }
0xd: {  	[smem:$0x3FB1] =	sst s5  }
0xe: {  	[smem:$0x3FB2] =	sst s6  }
0xf: {  	[smem:$0x3FB3] =	sst s7  }
0x10: {  	[smem:$0x3FB4] =	sst s8  }
0x11: {  	[smem:$0x3FB5] =	sst s9;
	s0 =	simm.s32 @!p0 $0x0  }
0x12: {  	s1 =	sld [smem:$0x3F9B];
	s0 =	simm.s32 @p0 $0x1  }
0x13: {  	[smem:$0x3FB6] =	sst s0;
	s0 =	simm.s32 @!p1 $0x0  }
0x14: {  	s2 =	sld [smem:$0x3F9A];
	s0 =	simm.s32 @p1 $0x1  }
0x15: {  	[smem:$0x3FB7] =	sst s0;
	s0 =	simm.s32 @!p2 $0x0  }
0x16: {  	s3 =	sld [smem:$0x3FDB];
	s0 =	simm.s32 @p2 $0x1  }
0x17: {  	s4 =	simm.s32 $0x1BF5;
	[smem:$0x3FB9] =	sst s0  }
0x18: {  	s0 =	sld [smem:$0x3F9C];
	_ =	swait.ge [sflag:s4], $0x0  }
0x19: {  	s7 =	sld [smem:$0x3F9D]  }
0x1a: {  	s8 =	sadd.s32 $0xFFFFE003, lr  }
0x1b: {  	s9 =	sadd.s32 $0xFFFFFEF7, lr;
	s5 =	simm.s32 $0xFFFFFFFF;
	p2 =	slt.u32 s8, $0xFFFFF086  }
0x1c: {  	p1 =	slt.u32 s9, $0xF7A;
	s5 =	simm.s32 @!p2 $0x0  }
0x1d: {  	s5 =	simm.s32 @p1 $0x1;
	p0 =	seq.s32 s7, s2  }
0x1e: {  	s7 =	smul.u32 @!p0 $0xF7A, s2;
	p2 =	seq.s32 @!p0 s5, $0x0  }
0x1f: {  	s9 =	smul.u32 $0xF7A, s1;
	s8 =	simm.s32 @!p0 $0x1BF5;
	p2 =	por !p2, p0  }
0x20: {  	[sflag:s8] =	ssyncset.s32 @!p0 $0xFFFFF086;
	s6 =	sadd.s32 @!p0 s3, s7;
	s7 =	simm.s32 @!p0 $0x108  }
0x21: {  	s3 =	sadd.s32 s3, s9;
	s6 =	sadd.s32 @!p0 $0x88, s6;
	s7 =	simm.s32 @p2 $0x1082  }
0x22: {  	[simem:s7], [sflag:s8] =	dma.local @!p0 [hbm:s6], $0xF7A  }
0x23: {  	s9 =	sor.u32 $0xD0000000, s2;
	s6 =	simm.s32 $0x108;
	_ =	swait.ge @!p0 [sflag:s8], $0x0  }
0x24: {  	s3 =	sadd.s32 $0x88, s3;
	s6 =	simm.s32 @!p1 $0x1082;
	[sflag:s4] =	ssyncset.s32 $0xFFFFF086  }
0x25: {  	[simem:s6], [sflag:s4] =	dma.local [hbm:s3], $0xF7A  }
0x26: {  	[smem:$0x3F9D] =	sst s1;
	(tag) =	ssettag s2;
	_ =	strace s9  }
0x27: {  	s1 =	sld [smem:$0x3FAD]  }
0x28: {  	s2 =	sld [smem:$0x3FAE]  }
0x29: {  	s4 =	sld [smem:$0x3FB0]  }
0x2a: {  	p0 =	seq.s32 s5, $0x0;
	s5 =	sld [smem:$0x3FB1]  }
0x2b: {  	s6 =	sld [smem:$0x3FB2]  }
0x2c: {  	s7 =	sld [smem:$0x3FB3]  }
0x2d: {  	s3 =	simm.s32 $0x108;
	s8 =	sld [smem:$0x3FB4]  }
0x2e: {  	s3 =	simm.s32 @!p0 $0x1082;
	s9 =	sld [smem:$0x3FB5]  }
0x2f: {  	lr =	sadd.s32 s0, s3;
	s0 =	sld [smem:$0x3FAC]  }
0x30: {  	s3 =	sld [smem:$0x3FAF]  }
0x31: {  	[smem:$0x3FB8] =	sst s10  }
0x32: {  	s10 =	sld [smem:$0x3FB6];
	_ =	sdelay $0x3  }
0x33: {  	p0 =	seq.s32 s10, $0x1;
	s10 =	sld [smem:$0x3FB8];
	_ =	sdelay $0x3  }
0x34: {  	[smem:$0x3FB8] =	sst s10  }
0x35: {  	s10 =	sld [smem:$0x3FB7];
	_ =	sdelay $0x3  }
0x36: {  	p1 =	seq.s32 s10, $0x1;
	s10 =	sld [smem:$0x3FB8];
	_ =	sdelay $0x3  }
0x37: {  	[smem:$0x3FB8] =	sst s10  }
0x38: {  	s10 =	sld [smem:$0x3FB9]  }
0x39: {  	_ = 	snop;
	(pc) =	sbr.ind lr, $3  }
0x3a: {  	_ = 	snop  }
0x3b: {  	_ = 	snop  }
0x3c: {  	p2 =	seq.s32 s10, $0x1;
	s10 =	sld [smem:$0x3FB8]  }
0x3d: {  	_ =	shalt  }
0x3e: {  	_ =	shalt  }
0x3f: {  	_ =	shalt  }
0x40: {  	_ =	shalt  }
0x41: {  	_ =	shalt  }
0x42: {  	_ =	shalt  }
0x43: {  	_ =	shalt  }
0x44: {  	_ =	shalt  }
0x45: {  	_ =	shalt  }
0x46: {  	_ =	shalt  }
0x47: {  	_ =	shalt  }
0x48: {  	_ =	shalt  }
0x49: {  	_ =	shalt  }
0x4a: {  	_ =	shalt  }
0x4b: {  	_ =	shalt  }
0x4c: {  	_ =	shalt  }
0x4d: {  	_ =	shalt  }
0x4e: {  	_ =	shalt  }
0x4f: {  	_ =	shalt  }
0x50: {  	_ =	shalt  }
0x51: {  	_ =	shalt  }
0x52: {  	_ =	shalt  }
0x53: {  	_ =	shalt  }
0x54: {  	_ =	shalt  }
0x55: {  	_ =	shalt  }
0x56: {  	_ =	shalt  }
0x57: {  	_ =	shalt  }
0x58: {  	_ =	shalt  }
0x59: {  	_ =	shalt  }
0x5a: {  	_ =	shalt  }
0x5b: {  	_ =	shalt  }
0x5c: {  	_ =	shalt  }
0x5d: {  	_ =	shalt  }
0x5e: {  	_ =	shalt  }
0x5f: {  	_ =	shalt  }
0x60: {  	_ =	shalt  }
0x61: {  	_ =	shalt  }
0x62: {  	_ =	shalt  }
0x63: {  	_ =	shalt  }
0x64: {  	_ =	shalt  }
0x65: {  	_ =	shalt  }
0x66: {  	_ =	shalt  }
0x67: {  	_ =	shalt  }
0x68: {  	_ =	shalt  }
0x69: {  	_ =	shalt  }
0x6a: {  	_ =	shalt  }
0x6b: {  	_ =	shalt  }
0x6c: {  	_ =	shalt  }
0x6d: {  	_ =	shalt  }
0x6e: {  	_ =	shalt  }
0x6f: {  	_ =	shalt  }
0x70: {  	_ =	shalt  }
0x71: {  	_ =	shalt  }
0x72: {  	_ =	shalt  }
0x73: {  	_ =	shalt  }
0x74: {  	_ =	shalt  }
0x75: {  	_ =	shalt  }
0x76: {  	_ =	shalt  }
0x77: {  	_ =	shalt  }
0x78: {  	_ =	shalt  }
0x79: {  	_ =	shalt  }
0x7a: {  	_ =	shalt  }
0x7b: {  	_ =	shalt  }
0x7c: {  	_ =	shalt  }
0x7d: {  	_ =	shalt  }
0x7e: {  	_ =	shalt  }
0x7f: {  	_ =	shalt  }
0x80: {  	_ =	shalt  }
0x81: {  	_ =	shalt  }
0x82: {  	_ =	shalt  }
0x83: {  	_ =	shalt  }
0x84: {  	_ =	shalt  }
0x85: {  	_ =	shalt  }
0x86: {  	_ =	shalt  }
0x87: {  	_ =	shalt  }
.Lfunc_end0:
.L_simem_size_0:
called_computation.1_lowered:
.L_overlay_start_0:
0x88: {  	s0 =	sld [smem:$0x3FD9]  }
0x89: {  	s1 =	sld [smem:$0x3FFE];
	_ =	sdelay $0x3  }
0x8a: {  	s0 =	sadd.s32 s1, s0  }
0x8b: {  	[smem:$0x3FC4] =	sst s0  }
0x8c: {  	_ = 	snop  }
0x8d: {  	s0 =	sld [smem:$0x3FC8]  }
0x8e: {  	s16 =	sld [smem:$0x3FD0];
	(tm) =	ssettm $0x1  }
0x8f: {  	s2 =	sld [smem:$0x3FFB];
	_ =	sdelay $0x3  }
0x90: {  	_ =	strace s2  }
0x91: {  	s2 =	sld [smem:$0x3FFC];
	_ =	sdelay $0x3  }
0x92: {  	_ =	strace s2  }
0x93: {  	s2 =	sld [smem:$0x3FFD];
	_ =	sdelay $0x3  }
0x94: {  	_ =	strace s2  }
0x95: {  	_ =	strace $0x8FFFFFFF  }
0x96: {  	s17 =	sld [smem:$0x3FDB];
	_ =	sdelay $0x1  }
0x97: {  	s3 =	simm.s32 $_scs_section_size  }
0x98: {  	s4 =	simm.s32 $_size__tile_overlayer_lowered;
	s5 =	simm.s32 $_tile_overlayer_lowered  }
0x99: {  	s20 =	simm.s32 $0x1BFF;
	s19 =	sshll.u32 s5, $0x1;
	s2 =	sadd.s32 s3, s17  }
0x9a: {  	s6 =	simm.s32 $0x0;
	s18 =	sshll.u32 s4, $0x1;
	s4 =	sadd.s32 s19, s2  }
0x9b: {  	[timem:s6], [sflag:s20] =	dma.local [hbm:s4], s18  }
0x9c: {  	_ =	swait.ge [sflag:s20], s18  }
0x9d: {  	s3 =	ssub.s32 $0x0, s18;
	[sflag:s20] =	ssyncset.done $0x0  }
0x9e: {  	[sflag:s20] =	ssyncadd.s32 s3;
	_ =	sdelay $0x1  }
0x9f: {  	s21 =	simm.s32 $0x1B8B  }
0xa0: {  	_ =	swait.ge [sflag:s21], $0x1  }
0xa1: {  	[sflag:s21] =	ssyncset.done $0x0  }
0xa2: {  	s23 =	simm.s32 $0x1B8E;
	s22 =	sld [smem:$0x3FFE];
	[sflag:s21] =	ssyncadd.s32 $0xFFFFFFFF  }
0xa3: {  	s24 =	simm.s32 $execute0_lowered;
	[smem:$0x3FD2] =	sst s23  }
0xa4: {  	s4 =	sshll.u32 s24, $0x1;
	_ =	strace $0x80000049;
	[dreg:$0x1] =	wrdreg $0xFFFFFFFF  }
0xa5: {  	s25 =	simm.s32 $_size_execute0_lowered;
	s2 =	sadd.s32 s2, s4;
	[dreg:$0x0] =	wrdreg $0x0  }
0xa6: {  	s4 =	sshll.u32 s25, $0x1;
	[dreg:$0x2] =	wrdreg s2  }
0xa7: {  	[dreg:$0x3] =	wrdreg s4  }
0xa8: {  	[dreg:$0x4] =	wrdreg $0xC0  }
0xa9: {  	_ =	task [dreg:s6], $0x5FFFF  }
0xaa: {  	[dreg:$0x1] =	wrdreg $0xFFFFFFFF  }
0xab: {  	[dreg:$0x0] =	wrdreg $0x60  }
0xac: {  	[dreg:$0x2] =	wrdreg s22  }
0xad: {  	[dreg:$0x3] =	wrdreg s0  }
0xae: {  	[dreg:$0x4] =	wrdreg s16  }
0xaf: {  	[dreg:$0x5] =	wrdreg $0x3B000  }
0xb0: {  	[dreg:$0x6] =	wrdreg $0x9  }
0xb1: {  	_ =	task.clear_ibuf [dreg:s6], $0x7FFFF;
	_ =	strace $0x90000049  }
0xb2: {  	s26 =	simm.s32 $0x9;
	_ =	strace $0x8000004B  }
0xb3: {  	_ =	swait.ge [sflag:s26], $0x1  }
0xb4: {  	[sflag:s26] =	ssyncadd.s32 $0xFFFFFFFF  }
0xb5: {  	_ =	strace $0x9000004B  }
0xb6: {  	_ =	sfence  }
0xb7: {  	s28 =	sld [smem:$0x0];
	_ =	sdelay $0x1  }
0xb8: {  	s29 =	srdreg.scid  }
0xb9: {  	s30 =	sshll.u32 s29, $0xD;
	s31 =	sshrl.u32 s29, $0x2  }
0xba: {  	s1 =	sand.u32 $0x1, s29;
	s2 =	sand.u32 $0x4000, s30;
	s0 =	sadd.s32 s31, s28  }
0xbb: {  	s1 =	sor.u32 s2, s1;
	s0 =	sshll.u32 s0, $0x11  }
0xbc: {  	s0 =	sor.u32 s0, s1  }
0xbd: {  	s0 =	sadd.s32 $0x8F2B, s0  }
0xbe: {  	[sflag:s0] =	ssyncadd.remote.s32 $0x1  }
0xbf: {  	_ =	sfence.sel $0xFFFF  }
0xc0: {  	[dreg:$0x0] =	wrdreg $0xFFFFFFFF;
	(pc) =	sbr.abs _section_cstart, $3  }
0xc1: {  	[dreg:$0x1] =	wrdreg $0xFFFFFFFF  }
0xc2: {  	_ =	task.clear_ibuf [dreg:s6], $0x2FFFF;
	_ =	strace $0x9FFFFFFF  }
0xc3: {  	(tm) =	ssettm $0x7FFFFFFF  }
tec
execute0_lowered:
.L_overlay_start_1:
0x0: {  	(tag) =	ssettag $0x1  }
0x1: {  	s2 =	rddreg [dreg:$0x0]  }
0x2: {  	s3 =	rddreg [dreg:$0x1];
	s0 =	stileid.u32  }
0x3: {  	s6 =	rddreg [dreg:$0x2];
	s4 =	smul.u32 $0xC40, s0  }
0x4: {  	s7 =	rddreg [dreg:$0x3]  }
0x5: {  	s1 =	rddreg [dreg:$0x4];
	s5 =	simm.s32 $0x0;
	s8 =	sshrl.u32 s4, $0x3  }
0x6: {  	[smem:$0x7FF] =	sst s5;
	s8 =	sadd.s32 s8, s2  }
0x7: {  	p0 =	seq.s32 s0, $0xF;
	_ =	strace $0x8000004A;
	s8 =	sadd.s32 $0x2A00, s8  }
0x8: {  	[tilespmem:s5], [sflag:$0x1] =	stream.linear.gather [hbm4b:s8+s5], $0xC40, $0x38;
	[tilespmem:$0x4B00] =	vst v63  }
0x9: {  	s9 =	simm.s32 @p0 $0xC80;
	s5 =	sadd.s32 @p0 $0x2F78, s3;
	s8 =	simm.s32 @p0 $0x0  }
0xa: {  	[tilespmem:s9], [sflag:$0x2] =	stream.linear.gather @p0 [hbm4b:s5+s8], $0xAE0, $0x38;
	[tilespmem:$0x4B00] =	vst v63  }
0xb: {  	s5 =	simm.s32 @p0 $0x2  }
0xc: {  	_ =	swait.ge @p0 [sflag:s5], $0xAE0  }
0xd: {  	[sflag:s5] =	ssyncset.done @p0 $0x0  }
0xe: {  	v0 =	vimm.s32 @p0 $0x0;
	[sflag:s5] =	ssyncadd.s32 @p0 $0xFFFFF520  }
0xf: {  	[tilespmem:$0x1760] =	vst @p0 v0  }
0x10: {  	[tilespmem:$0x1770] =	vst @p0 v0  }
0x11: {  	[tilespmem:$0x1780] =	vst @p0 v0  }
0x12: {  	[tilespmem:$0x1790] =	vst @p0 v0  }
0x13: {  	[tilespmem:$0x17A0] =	vst @p0 v0  }
0x14: {  	[tilespmem:$0x17B0] =	vst @p0 v0  }
0x15: {  	[tilespmem:$0x17C0] =	vst @p0 v0  }
0x16: {  	[tilespmem:$0x17D0] =	vst @p0 v0  }
0x17: {  	[tilespmem:$0x17E0] =	vst @p0 v0  }
0x18: {  	[tilespmem:$0x17F0] =	vst @p0 v0  }
0x19: {  	[tilespmem:$0x1800] =	vst @p0 v0  }
0x1a: {  	[tilespmem:$0x1810] =	vst @p0 v0  }
0x1b: {  	[tilespmem:$0x1820] =	vst @p0 v0  }
0x1c: {  	[tilespmem:$0x1830] =	vst @p0 v0  }
0x1d: {  	[tilespmem:$0x1840] =	vst @p0 v0  }
0x1e: {  	[tilespmem:$0x1850] =	vst @p0 v0  }
0x1f: {  	[tilespmem:$0x1860] =	vst @p0 v0  }
0x20: {  	[tilespmem:$0x1870] =	vst @p0 v0  }
0x21: {  	s28 =	sshll.u32 s0, $0x5;
	s29 =	sshll.u32 s0, $0xC;
	[tilespmem:$0x1880] =	vst @p0 v0  }
0x22: {  	s30 =	sshll.u32 s0, $0x7;
	s10 =	simm.s32 @!p0 $0xC80;
	s4 =	sshrl.u32 @!p0 s4, $0x3;
	[tilespmem:$0x1890] =	vst @p0 v0  }
0x23: {  	s3 =	sadd.s32 @!p0 s3, s4;
	s4 =	simm.s32 @!p0 $0x0;
	s5 =	sand.u32 $0x8000, s29;
	[tilespmem:$0x18A0] =	vst @p0 v0  }
0x24: {  	s3 =	sadd.s32 @!p0 $0x1880, s3;
	s9 =	sand.u32 $0x380, s30;
	s5 =	sadd.s32 s5, s7;
	[tilespmem:$0x18B0] =	vst @p0 v0  }
0x25: {  	[tilespmem:s10], [sflag:$0x2] =	stream.linear.gather @!p0 [hbm4b:s3+s4], $0xC40, $0x38;
	[tilespmem:$0x4B00] =	vst v63  }
0x26: {  	s2 =	sadd.s32 s28, s2;
	s3 =	sadd.s32 s9, s5;
	s9 =	simm.s32 @!p0 $0x2  }
0x27: {  	s31 =	sshll.u32 s0, $0xB;
	s5 =	sadd.s32 $0x2800, s2;
	_ =	swait.ge @!p0 [sflag:s9], $0xC40  }
0x28: {  	s4 =	sadd.s32 s31, s7;
	s2 =	sadd.s32 s6, s28;
	[sflag:s9] =	ssyncset.done @!p0 $0x0  }
0x29: {  	v0 =	vimm.f32 $0.0e+00;
	s6 =	simm.s32 $0x0;
	s7 =	simm.s32 $0x200;
	[sflag:s9] =	ssyncadd.s32 @!p0 $0xFFFFF3C0  }
.LBB2_1:
0x2a: {  	p0 =	sne.s32 s7, $0x3E00;
	[tilespmem:s6+$0x1970] =	vst v0  }
0x2b: {  	[tilespmem:s6+$0x1900] =	vst v0  }
0x2c: {  	[tilespmem:s6+$0x1910] =	vst v0  }
.Ltmp0:
0x2d: {  	[tilespmem:s6+$0x1920] =	vst v0;
	(pc) =	sbr.rel @p0 .LBB2_1-.Ltmp0, $4  }
0x2e: {  	[tilespmem:s6+$0x1930] =	vst v0  }
0x2f: {  	[tilespmem:s6+$0x1940] =	vst v0  }
0x30: {  	[tilespmem:s6+$0x1950] =	vst v0  }
0x31: {  	[tilespmem:s6+$0x1960] =	vst v0;
	s6 =	sshra.s32 s7, $0x2;
	s7 =	sadd.s32 $0x200, s7  }
0x32: {  	[tilespmem:s6+$0x1970] =	vst v0  }
0x33: {  	[tilespmem:s6+$0x1900] =	vst v0  }
0x34: {  	[tilespmem:s6+$0x1910] =	vst v0  }
0x35: {  	[tilespmem:s6+$0x1920] =	vst v0  }
0x36: {  	[tilespmem:s6+$0x1930] =	vst v0  }
0x37: {  	[tilespmem:s6+$0x1940] =	vst v0  }
0x38: {  	[tilespmem:s6+$0x1950] =	vst v0  }
0x39: {  	[tilespmem:s6+$0x1960] =	vst v0;
	s31 =	simm.s32 $0x1  }
0x3a: {  	_ =	swait.ge [sflag:s31], $0xC40  }
0x3b: {  	[sflag:s31] =	ssyncset.done $0x0  }
0x3c: {  	s6 =	simm.s32 $0x0;
	s7 =	simm.s32 $0x1900;
	[sflag:s31] =	ssyncadd.s32 $0xFFFFF3C0  }
.LBB2_3:
0x3d: {  	s8 =	sshra.s32 s6, $0x2  }
0x3e: {  	v0 =	vld [tilespmem:s8+$0xC80];
	_ =	sdelay $0x2  }
0x3f: {  	v1 =	vld [tilespmem:s8+$0x0];
	_ =	sdelay $0x4  }
0x40: {  	[tilespmem:v0+s7+$0x0] =	vst.idx.add.f32.msk $0xffff, v1  }
0x41: {  	v0 =	vld [tilespmem:s8+$0xC90];
	_ =	sdelay $0x2  }
0x42: {  	v1 =	vld [tilespmem:s8+$0x10];
	_ =	sdelay $0x4  }
0x43: {  	[tilespmem:v0+s7+$0x0] =	vst.idx.add.f32.msk $0xffff, v1  }
0x44: {  	v0 =	vld [tilespmem:s8+$0xCA0];
	_ =	sdelay $0x2  }
0x45: {  	v1 =	vld [tilespmem:s8+$0x20];
	_ =	sdelay $0x4  }
0x46: {  	[tilespmem:v0+s7+$0x0] =	vst.idx.add.f32.msk $0xffff, v1  }
0x47: {  	v0 =	vld [tilespmem:s8+$0xCB0];
	_ =	sdelay $0x2  }
0x48: {  	p0 =	sne.s32 s6, $0x3000;
	v1 =	vld [tilespmem:s8+$0x30]  }
.Ltmp1:
0x49: {  	_ = 	snop;
	(pc) =	sbr.rel @p0 .LBB2_3-.Ltmp1, $2  }
0x4a: {  	_ =	sdelay $0x2  }
0x4b: {  	s6 =	sadd.s32 $0x100, s6;
	[tilespmem:v0+s7+$0x0] =	vst.idx.add.f32.msk $0xffff, v1  }
0x4c: {  	s6 =	simm.s32 $0x80  }
0x4d: {  	s7 =	simm.s32 $0x400;
	s8 =	simm.s32 $0x1900;
	s23 =	simm.s32 $0x2  }
0x4e: {  	[spmem:s3] =	stream.strided.scatter [tilespmem:s8], [sflag:$0x2], $0x1000, s7, s6, $0x38;
	[tilespmem:$0x4B00] =	vst v63  }
0x4f: {  	_ =	swait.ge [sflag:s23], $0x1000  }
0x50: {  	[sflag:s23] =	ssyncset.done $0x0  }
0x51: {  	s24 =	simm.s32 $0x0;
	s3 =	simm.s32 $0x3A00;
	[sflag:s23] =	ssyncadd.s32 $0xFFFFF000  }
0x52: {  	[tilespmem:s3], [sflag:$0x2] =	stream.linear.gather [hbm4b:s5+s24], $0x100, $0x38;
	[tilespmem:$0x4B00] =	vst v63  }
0x53: {  	_ =	swait.ge [sflag:s23], $0x100  }
0x54: {  	[sflag:s23] =	ssyncset.done $0x0  }
0x55: {  	s25 =	simm.s32 $0x800;
	[sflag:s23] =	ssyncadd.s32 $0xFFFFFF00  }
0x56: {  	s26 =	simm.s32 $0x8000;
	s9 =	simm.s32 $0x2900;
	[bflag:$0x0] =	sbarrier.arrive $0xFFFF  }
0x57: {  	[tilespmem:s9], [sflag:$0x2] =	stream.strided.gather [spmem:s4], $0x1000, s26, s25, $0x38;
	[tilespmem:$0x4B00] =	vst v63  }
0x58: {  	_ =	swait.ge [sflag:s23], $0x1000  }
0x59: {  	s28 =	sand.u32 $0x70, s24;
	s29 =	sand.u32 $0x400, s24;
	[sflag:s23] =	ssyncset.done $0x0  }
0x5a: {  	s4 =	sor.u32 s28, s29;
	[sflag:s23] =	ssyncadd.s32 $0xFFFFF000  }
0x5b: {  	v0 =	vld [tilespmem:s4+$0x2980]  }
0x5c: {  	v1 =	vld [tilespmem:s4+$0x2900];
	_ =	sdelay $0x1  }
0x5d: {  	v2 =	vld [tilespmem:s4+$0x2A00];
	_ =	sdelay $0x1  }
0x5e: {  	v3 =	vld [tilespmem:s4+$0x2A80]  }
0x5f: {  	v0 =	vadd.f32 v0, v1  }
0x60: {  	v51 =	vld [tilespmem:s4+$0x2B00]  }
0x61: {  	v0 =	vadd.f32 v2, v0  }
0x62: {  	v52 =	vld [tilespmem:s4+$0x2B80]  }
0x63: {  	v0 =	vadd.f32 v3, v0  }
0x64: {  	v53 =	vld [tilespmem:s4+$0x2C00]  }
0x65: {  	v0 =	vadd.f32 v51, v0  }
0x66: {  	v54 =	vld [tilespmem:s4+$0x2C80]  }
0x67: {  	v0 =	vadd.f32 v52, v0  }
0x68: {  	v55 =	vld [tilespmem:s4+$0x3100]  }
0x69: {  	v0 =	vadd.f32 v53, v0  }
0x6a: {  	v56 =	vld [tilespmem:s4+$0x3180]  }
0x6b: {  	v0 =	vadd.f32 v54, v0  }
0x6c: {  	v57 =	vld [tilespmem:s4+$0x3200]  }
0x6d: {  	v0 =	vadd.f32 v55, v0  }
0x6e: {  	v58 =	vld [tilespmem:s4+$0x3280]  }
0x6f: {  	v0 =	vadd.f32 v56, v0  }
0x70: {  	v59 =	vld [tilespmem:s4+$0x3300]  }
0x71: {  	v0 =	vadd.f32 v57, v0  }
0x72: {  	v60 =	vld [tilespmem:s4+$0x3380]  }
0x73: {  	v0 =	vadd.f32 v58, v0  }
0x74: {  	v61 =	vld [tilespmem:s4+$0x3400]  }
0x75: {  	v0 =	vadd.f32 v59, v0  }
0x76: {  	v62 =	vld [tilespmem:s4+$0x3480]  }
0x77: {  	v0 =	vadd.f32 v60, v0  }
0x78: {  	v63 =	vld [tilespmem:s3+$0x0]  }
0x79: {  	v0 =	vadd.f32 v61, v0;
	_ =	sdelay $0x1  }
0x7a: {  	v0 =	vadd.f32 v62, v0;
	_ =	sdelay $0x1  }
0x7b: {  	s30 =	simm.s32 $0x10;
	s6 =	simm.s32 $0x80;
	v0 =	vadd.f32 v63, v0  }
0x7c: {  	s31 =	sand.u32 $0x400, s6;
	s5 =	sand.u32 $0x70, s30;
	s4 =	simm.s32 $0x3900  }
0x7d: {  	s7 =	simm.s32 $0x20;
	s5 =	sor.u32 s5, s31;
	[tilespmem:s4+$0x0] =	vst v0  }
.LBB2_5:
0x7e: {  	p0 =	sne.s32 s7, $0xF0;
	v0 =	vld [tilespmem:s5+$0x2980]  }
0x7f: {  	v1 =	vld [tilespmem:s5+$0x2900];
	_ =	sdelay $0x1  }
0x80: {  	v2 =	vld [tilespmem:s5+$0x2A00];
	_ =	sdelay $0x1  }
0x81: {  	v3 =	vld [tilespmem:s5+$0x2A80]  }
0x82: {  	v0 =	vadd.f32 v0, v1  }
0x83: {  	v1 =	vld [tilespmem:s5+$0x2B00]  }
0x84: {  	v0 =	vadd.f32 v2, v0  }
0x85: {  	v2 =	vld [tilespmem:s5+$0x2B80]  }
0x86: {  	v0 =	vadd.f32 v3, v0  }
0x87: {  	v3 =	vld [tilespmem:s5+$0x2C00]  }
0x88: {  	v0 =	vadd.f32 v1, v0  }
0x89: {  	v1 =	vld [tilespmem:s5+$0x2C80]  }
0x8a: {  	v0 =	vadd.f32 v2, v0  }
0x8b: {  	v2 =	vld [tilespmem:s5+$0x3100]  }
0x8c: {  	v0 =	vadd.f32 v3, v0  }
0x8d: {  	v3 =	vld [tilespmem:s5+$0x3180]  }
0x8e: {  	v0 =	vadd.f32 v1, v0  }
0x8f: {  	v1 =	vld [tilespmem:s5+$0x3200]  }
0x90: {  	v0 =	vadd.f32 v2, v0  }
0x91: {  	v2 =	vld [tilespmem:s5+$0x3280]  }
0x92: {  	v0 =	vadd.f32 v3, v0  }
0x93: {  	v3 =	vld [tilespmem:s5+$0x3300]  }
0x94: {  	v0 =	vadd.f32 v1, v0  }
0x95: {  	v1 =	vld [tilespmem:s5+$0x3380]  }
0x96: {  	v0 =	vadd.f32 v2, v0  }
0x97: {  	v2 =	vld [tilespmem:s5+$0x3400]  }
0x98: {  	v0 =	vadd.f32 v3, v0  }
0x99: {  	v3 =	vld [tilespmem:s5+$0x3480]  }
0x9a: {  	s3 =	sadd.s32 $0x10, s3;
	v0 =	vadd.f32 v1, v0  }
0x9b: {  	v1 =	vld [tilespmem:s3+$0x0]  }
0x9c: {  	v0 =	vadd.f32 v2, v0;
	_ =	sdelay $0x1  }
.Ltmp2:
0x9d: {  	v0 =	vadd.f32 v3, v0;
	(pc) =	sbr.rel @p0 .LBB2_5-.Ltmp2, $4  }
0x9e: {  	_ = 	snop  }
0x9f: {  	s6 =	sadd.s32 $0x80, s6;
	v0 =	vadd.f32 v1, v0  }
0xa0: {  	s4 =	sadd.s32 $0x10, s4;
	s8 =	sand.u32 $0x400, s6;
	s5 =	sand.u32 $0x70, s7  }
0xa1: {  	s7 =	sadd.s32 $0x10, s7;
	s5 =	sor.u32 s5, s8;
	[tilespmem:s4+$0x0] =	vst v0  }
0xa2: {  	v0 =	vld [tilespmem:s5+$0x2980]  }
0xa3: {  	v1 =	vld [tilespmem:s5+$0x2900];
	_ =	sdelay $0x1  }
0xa4: {  	v2 =	vld [tilespmem:s5+$0x2A00];
	_ =	sdelay $0x1  }
0xa5: {  	v3 =	vld [tilespmem:s5+$0x2A80]  }
0xa6: {  	v0 =	vadd.f32 v0, v1  }
0xa7: {  	v51 =	vld [tilespmem:s5+$0x2B00]  }
0xa8: {  	v0 =	vadd.f32 v2, v0  }
0xa9: {  	v52 =	vld [tilespmem:s5+$0x2B80]  }
0xaa: {  	v0 =	vadd.f32 v3, v0  }
0xab: {  	v53 =	vld [tilespmem:s5+$0x2C00]  }
0xac: {  	v0 =	vadd.f32 v51, v0  }
0xad: {  	v54 =	vld [tilespmem:s5+$0x2C80]  }
0xae: {  	v0 =	vadd.f32 v52, v0  }
0xaf: {  	v55 =	vld [tilespmem:s5+$0x3100]  }
0xb0: {  	v0 =	vadd.f32 v53, v0  }
0xb1: {  	v56 =	vld [tilespmem:s5+$0x3180]  }
0xb2: {  	v0 =	vadd.f32 v54, v0  }
0xb3: {  	v57 =	vld [tilespmem:s5+$0x3200]  }
0xb4: {  	v0 =	vadd.f32 v55, v0  }
0xb5: {  	v58 =	vld [tilespmem:s5+$0x3280]  }
0xb6: {  	v0 =	vadd.f32 v56, v0  }
0xb7: {  	v59 =	vld [tilespmem:s5+$0x3300]  }
0xb8: {  	v0 =	vadd.f32 v57, v0  }
0xb9: {  	v60 =	vld [tilespmem:s5+$0x3380]  }
0xba: {  	v0 =	vadd.f32 v58, v0  }
0xbb: {  	v61 =	vld [tilespmem:s5+$0x3400]  }
0xbc: {  	v0 =	vadd.f32 v59, v0  }
0xbd: {  	v62 =	vld [tilespmem:s5+$0x3480]  }
0xbe: {  	s3 =	sadd.s32 $0x10, s3;
	v0 =	vadd.f32 v60, v0  }
0xbf: {  	v63 =	vld [tilespmem:s3+$0x0]  }
0xc0: {  	v0 =	vadd.f32 v61, v0;
	_ =	sdelay $0x1  }
0xc1: {  	v0 =	vadd.f32 v62, v0;
	_ =	sdelay $0x1  }
0xc2: {  	v0 =	vadd.f32 v63, v0  }
0xc3: {  	s28 =	sadd.s32 $0x10, s4  }
0xc4: {  	s29 =	simm.s32 $0x0;
	s30 =	simm.s32 $0x3900;
	s31 =	simm.s32 $0x2;
	[tilespmem:s28+$0x0] =	vst v0  }
0xc5: {  	[hbm4b:s2+s29] =	stream.linear.scatter [tilespmem:s30], [sflag:$0x2], $0x100, $0x38;
	[tilespmem:$0x4B00] =	vst v63  }
0xc6: {  	_ =	swait.ge [sflag:s31], $0x100  }
0xc7: {  	[sflag:s31] =	ssyncset.done $0x0  }
0xc8: {  	[sflag:s31] =	ssyncadd.s32 $0xFFFFFF00  }
0xc9: {  	_ =	sfence.sel $0x180000  }
0xca: {  	[bflag:$0x0] =	sbarrier.arrive $0xFFFF  }
0xcb: {  	p0 =	sne.s32 s0, $0x0;
	_ =	strace $0x9000004A  }
0xcc: {  	s0 =	sadd.s32 @!p0 $0x100000, s1;
	[bflag:$0x2] =	sbarrier.arrive $0xFFFF  }
0xcd: {  	[sflag:s0] =	ssyncadd.tile.s32 @!p0 $0x1;
	_ =	shalt  }
.Lfunc_end2:
_tile_overlayer_lowered:
.L_overlay_start_2:
0xce: {  	(tag) =	ssettag $0x2  }
0xcf: {  	s0 =	rddreg [dreg:$0x0];
	s2 =	stileid.u32  }
0xd0: {  	s1 =	rddreg [dreg:$0x1];
	p0 =	sne.s32 s2, $0x0  }
0xd1: {  	s3 =	rddreg [dreg:$0x2];
	[bflag:$0x3] =	sbarrier.arrive $0xFFFF;
	s2 =	simm.s32 @!p0 $0x1C02  }
0xd2: {  	[timem:s3], [sflag:s2] =	dma.local @!p0 [hbm:s0], s1  }
0xd3: {  	s0 =	simm.s32 @!p0 $0x2  }
0xd4: {  	_ =	swait.ge @!p0 [sflag:s0], s1  }
0xd5: {  	s1 =	ssub.s32 @!p0 $0x0, s1;
	[sflag:s0] =	ssyncset.done @!p0 $0x0  }
0xd6: {  	[sflag:s0] =	ssyncadd.s32 @!p0 s1  }
0xd7: {  	[bflag:$0x3] =	sbarrier.arrive $0xFFFF  }
0xd8: {  	_ =	shalt  }

</sc_bundles>
